<compile_context>
chip_gen: v7x
topology: tpu7x:2x2x1
jax: 0.10.2.dev20260603
libtpu: 0.0.44.dev20260713+nightly
codegen_flags: <defaults>
</compile_context>

<pallas_src>
import functools

import jax
import jax.numpy as jnp
from jax.experimental import pallas as pl

P = 16
E = 16
C = 96
FF = 96
EPS = 1e-6
TB = 8


def _moe_block(x_ref, g_ref, wr_ref, w1_ref, w2_ref, y_ref):
    g = g_ref[:]
    wr = wr_ref[:]

    def body(t, carry):
        xc = x_ref[t]
        ms = jnp.mean(xc * xc, axis=0, keepdims=True)
        xn = xc * jax.lax.rsqrt(ms + EPS) * g
        pooled = jnp.mean(xn, axis=1, keepdims=True)
        logits = jax.lax.dot_general(
            pooled, wr, (((0,), (0,)), ((), ())),
            preferred_element_type=jnp.float32)
        lmax = jnp.max(logits)
        lane = jax.lax.broadcasted_iota(jnp.int32, (1, E), 1)
        idx = jnp.min(jnp.where(logits >= lmax, lane, E))
        w1 = w1_ref[idx]
        w2 = w2_ref[idx]
        h = jax.lax.dot_general(
            w1, xn, (((1,), (0,)), ((), ())),
            preferred_element_type=jnp.float32)
        h = h * jax.nn.sigmoid(h)
        o = jax.lax.dot_general(
            w2, h, (((1,), (0,)), ((), ())),
            preferred_element_type=jnp.float32)
        y_ref[t] = xc + o
        return carry

    jax.lax.fori_loop(0, TB, body, 0, unroll=True)


def kernel(x, g, Wr, W1, W2):
    B, Cc, H, W = x.shape
    Hp, Wp = H // P, W // P
    T = B * Hp * Wp

    xr = x.reshape(B, Cc, Hp, P, Wp, P)
    xr = xr.transpose(0, 2, 4, 1, 3, 5).reshape(T, Cc, P * P)

    w1t = W1.transpose(0, 2, 1)
    w2t = W2.transpose(0, 2, 1)
    g2 = g.reshape(Cc, 1)

    yr = pl.pallas_call(
        _moe_block,
        grid=(T // TB,),
        in_specs=[
            pl.BlockSpec((TB, Cc, P * P), lambda i: (i, 0, 0)),
            pl.BlockSpec((Cc, 1), lambda i: (0, 0)),
            pl.BlockSpec((Cc, E), lambda i: (0, 0)),
            pl.BlockSpec((E, FF, Cc), lambda i: (0, 0, 0)),
            pl.BlockSpec((E, Cc, FF), lambda i: (0, 0, 0)),
        ],
        out_specs=pl.BlockSpec((TB, Cc, P * P), lambda i: (i, 0, 0)),
        out_shape=jax.ShapeDtypeStruct((T, Cc, P * P), x.dtype),
    )(xr, g2, Wr, w1t, w2t)

    y = yr.reshape(B, Hp, Wp, Cc, P, P)
    y = y.transpose(0, 3, 1, 4, 2, 5).reshape(B, Cc, H, W)
    return y

# --- scband reference (transcript-rebuilt; emitter-appended) ---
"""Pipeline reference for scband-spatial-patch-mo-e-68616397521259 (READ-ONLY COPY).

The authoritative reference and input builder live on the scoring server;
editing this copy changes nothing except your own understanding.
"""

import jax, jax.numpy as jnp
import numpy as np

P = 16
E = 16
K = 1
C = 96
FF = 96
EPS = 1e-6


def setup_inputs(seed: int = 0) -> dict:
    key = jax.random.key(seed)
    k1, k2, k3, k4 = jax.random.split(key, 4)
    x = jax.random.normal(k1, (2, C, 224, 224), dtype=jnp.float32)
    g = jnp.ones((C,), dtype=jnp.float32)
    Wr = jax.random.normal(k2, (C, E), dtype=jnp.float32) * 0.02
    W1 = jax.random.normal(k3, (E, C, FF), dtype=jnp.float32) * 0.02
    W2 = jax.random.normal(k4, (E, FF, C), dtype=jnp.float32) * 0.02
    return {"x": x, "g": g, "Wr": Wr, "W1": W1, "W2": W2}


def reference(x, g, Wr, W1, W2):
    B, Cc, H, W = x.shape
    Hp, Wp = H // P, W // P
    # extract non-overlapping spatial patches -> tokens [T, P*P, C]
    xt = jnp.transpose(x, (0, 2, 3, 1))
    xt = xt.reshape(B, Hp, P, Wp, P, Cc)
    xt = jnp.transpose(xt, (0, 1, 3, 2, 4, 5)).reshape(B * Hp * Wp, P * P, Cc)
    # RMSNorm over channel dim (per pixel)
    ms = jnp.mean(jnp.square(xt), axis=-1, keepdims=True)
    xn = xt * jax.lax.rsqrt(ms + EPS) * g
    # router: mean-pool patch features, linear -> softmax -> top-k experts
    pooled = jnp.mean(xn, axis=1)
    logits = pooled @ Wr
    probs = jax.nn.softmax(logits, axis=-1)
    topv, topi = jax.lax.top_k(probs, K)
    topw = topv / jnp.sum(topv, axis=-1, keepdims=True)
    out = jnp.zeros_like(xn)
    for j in range(K):
        idx = topi[:, j]
        w1 = jnp.take(W1, idx, axis=0)  # [T, C, FF] gathered expert weights
        w2 = jnp.take(W2, idx, axis=0)  # [T, FF, C]
        h = jnp.einsum('tpc,tcf->tpf', xn, w1)
        h = h * jax.nn.sigmoid(h)  # SiLU
        o = jnp.einsum('tpf,tfc->tpc', h, w2)
        out = out + topw[:, j][:, None, None] * o
    y = xt + out  # residual
    # reassemble patches -> [B, C, H, W]
    y = y.reshape(B, Hp, Wp, P, P, Cc)
    y = jnp.transpose(y, (0, 1, 3, 2, 4, 5)).reshape(B, H, W, Cc)
    y = jnp.transpose(y, (0, 3, 1, 2))
    return y

if __name__ == "__main__":
    import jax
    _d = setup_inputs()
    print(jax.jit(kernel)(*tuple(_d.values())))

</pallas_src>

<mosaic_0001>
module attributes {stable_mosaic.version = 14 : i64} {
  func.func @_moe_block(%arg0: i32, %arg1: memref<8x96x256xf32, #tpu.memory_space<vmem>>, %arg2: memref<96x1xf32, #tpu.memory_space<vmem>>, %arg3: memref<96x16xf32, #tpu.memory_space<vmem>>, %arg4: memref<16x96x96xf32, #tpu.memory_space<vmem>>, %arg5: memref<16x96x96xf32, #tpu.memory_space<vmem>>, %arg6: memref<8x96x256xf32, #tpu.memory_space<vmem>>) attributes {dimension_semantics = [#tpu.dimension_semantics<arbitrary>], iteration_bounds = array<i64: 49>, scalar_prefetch = 0 : i64, scratch_operands = 0 : i64, tpu.core_type = #tpu.core_type<tc>, window_params = [{transform_indices = @transform_0, window_bounds = array<i64: 8, 96, 256>}, {pipeline_mode = #tpu.pipeline_mode<synchronous>, transform_indices = @transform_1, window_bounds = array<i64: 96, 1>}, {pipeline_mode = #tpu.pipeline_mode<synchronous>, transform_indices = @transform_2, window_bounds = array<i64: 96, 16>}, {pipeline_mode = #tpu.pipeline_mode<synchronous>, transform_indices = @transform_3, window_bounds = array<i64: 16, 96, 96>}, {pipeline_mode = #tpu.pipeline_mode<synchronous>, transform_indices = @transform_4, window_bounds = array<i64: 16, 96, 96>}, {transform_indices = @transform_5, window_bounds = array<i64: 8, 96, 256>}]} {
    %get3A = arith.constant 0 : index
    %get3A_0 = arith.constant 0 : index
    %get3A_1 = vector.load %arg2[%get3A, %get3A_0] : memref<96x1xf32, #tpu.memory_space<vmem>>, vector<96x1xf32>
    %get3A_2 = arith.constant 0 : index
    %get3A_3 = arith.constant 0 : index
    %get3A_4 = vector.load %arg3[%get3A_2, %get3A_3] : memref<96x16xf32, #tpu.memory_space<vmem>>, vector<96x16xf32>
    %scan3A = arith.constant 0 : i32
    %get3A_5 = arith.index_cast %scan3A : i32 to index
    %get3A_6 = arith.constant 0 : index
    %get3A_7 = arith.constant 0 : index
    %get3A_8 = vector.load %arg1[%get3A_5, %get3A_6, %get3A_7] : memref<8x96x256xf32, #tpu.memory_space<vmem>>, vector<1x96x256xf32>
    %get3A_9 = vector.shape_cast %get3A_8 : vector<1x96x256xf32> to vector<96x256xf32>
    %mul3A = arith.mulf %get3A_9, %get3A_9 : vector<96x256xf32>
    %reduce_sum3A = arith.constant dense<0.000000e+00> : vector<256xf32>
    %reduce_sum3A_10 = vector.multi_reduction <add>, %mul3A, %reduce_sum3A [0] : vector<96x256xf32> to vector<256xf32>
    %broadcast_in_dim3A = vector.shape_cast %reduce_sum3A_10 : vector<256xf32> to vector<1x256xf32>
    %div3A = arith.constant 9.600000e+01 : f32
    %div3A_11 = vector.broadcast %div3A : f32 to vector<1x256xf32>
    %div3A_12 = arith.divf %broadcast_in_dim3A, %div3A_11 : vector<1x256xf32>
    %add3A = arith.constant 9.99999997E-7 : f32
    %add3A_13 = vector.broadcast %add3A : f32 to vector<1x256xf32>
    %add3A_14 = arith.addf %div3A_12, %add3A_13 : vector<1x256xf32>
    %rsqrt3A = math.rsqrt %add3A_14 : vector<1x256xf32>
    %mul3A_15 = vector.broadcast %rsqrt3A : vector<1x256xf32> to vector<96x256xf32>
    %mul3A_16 = arith.mulf %get3A_9, %mul3A_15 : vector<96x256xf32>
    %mul3A_17 = vector.broadcast %get3A_1 : vector<96x1xf32> to vector<96x256xf32>
    %mul3A_18 = arith.mulf %mul3A_16, %mul3A_17 : vector<96x256xf32>
    %reduce_sum3A_19 = arith.constant dense<0.000000e+00> : vector<96xf32>
    %reduce_sum3A_20 = vector.multi_reduction <add>, %mul3A_18, %reduce_sum3A_19 [1] : vector<96x256xf32> to vector<96xf32>
    %broadcast_in_dim3A_21 = vector.shape_cast %reduce_sum3A_20 : vector<96xf32> to vector<96x1xf32>
    %div3A_22 = arith.constant 2.560000e+02 : f32
    %div3A_23 = vector.broadcast %div3A_22 : f32 to vector<96x1xf32>
    %div3A_24 = arith.divf %broadcast_in_dim3A_21, %div3A_23 : vector<96x1xf32>
    %dot_general3A = arith.constant dense<0.000000e+00> : vector<1x16xf32>
    %dot_general3A_25 = tpu.matmul %div3A_24, %get3A_4, %dot_general3A {dimension_numbers = #tpu.dot_dimension_numbers<[0], [0], [1], [1], [0, 1, 1, 1], [], []>, transpose_lhs_hint = false} : vector<96x1xf32>, vector<96x16xf32>, vector<1x16xf32> -> vector<1x16xf32>
    %reduce_max3A = vector.shape_cast %dot_general3A_25 : vector<1x16xf32> to vector<1x1x16xf32>
    %reduce_max3A_26 = arith.constant dense<0xFF800000> : vector<1xf32>
    %reduce_max3A_27 = vector.multi_reduction <maximumf>, %reduce_max3A, %reduce_max3A_26 [1, 2] : vector<1x1x16xf32> to vector<1xf32>
    %reduce_max3A_28 = vector.shape_cast %reduce_max3A_27 : vector<1xf32> to vector<1x1x1xf32>
    %reduce_max3A_29 = vector.extract %reduce_max3A_28[0, 0, 0] : f32 from vector<1x1x1xf32>
    %iota3A = tpu.iota {dimensions = array<i32: 1>} : vector<1x16xi32>
    %ge3A = vector.broadcast %reduce_max3A_29 : f32 to vector<1x16xf32>
    %ge3A_30 = arith.cmpf oge, %dot_general3A_25, %ge3A : vector<1x16xf32>
    %jit3A = arith.constant 16 : i32
    %broadcast_in_dim3A_31 = vector.broadcast %jit3A : i32 to vector<1x16xi32>
    %select_n3A = arith.select %ge3A_30, %iota3A, %broadcast_in_dim3A_31 : vector<1x16xi1>, vector<1x16xi32>
    %reduce_min3A = vector.shape_cast %select_n3A : vector<1x16xi32> to vector<1x1x16xi32>
    %reduce_min3A_32 = arith.constant dense<2147483647> : vector<1xi32>
    %reduce_min3A_33 = vector.multi_reduction <minsi>, %reduce_min3A, %reduce_min3A_32 [1, 2] : vector<1x1x16xi32> to vector<1xi32>
    %reduce_min3A_34 = vector.shape_cast %reduce_min3A_33 : vector<1xi32> to vector<1x1x1xi32>
    %reduce_min3A_35 = vector.extract %reduce_min3A_34[0, 0, 0] : i32 from vector<1x1x1xi32>
    %get3A_36 = arith.index_cast %reduce_min3A_35 : i32 to index
    %get3A_37 = arith.constant 0 : index
    %get3A_38 = arith.constant 0 : index
    %get3A_39 = vector.load %arg4[%get3A_36, %get3A_37, %get3A_38] : memref<16x96x96xf32, #tpu.memory_space<vmem>>, vector<1x96x96xf32>
    %get3A_40 = vector.shape_cast %get3A_39 : vector<1x96x96xf32> to vector<96x96xf32>
    %get3A_41 = arith.index_cast %reduce_min3A_35 : i32 to index
    %get3A_42 = arith.constant 0 : index
    %get3A_43 = arith.constant 0 : index
    %get3A_44 = vector.load %arg5[%get3A_41, %get3A_42, %get3A_43] : memref<16x96x96xf32, #tpu.memory_space<vmem>>, vector<1x96x96xf32>
    %get3A_45 = vector.shape_cast %get3A_44 : vector<1x96x96xf32> to vector<96x96xf32>
    %dot_general3A_46 = arith.constant dense<0.000000e+00> : vector<96x256xf32>
    %dot_general3A_47 = tpu.matmul %get3A_40, %mul3A_18, %dot_general3A_46 {dimension_numbers = #tpu.dot_dimension_numbers<[1], [0], [0], [1], [0, 0, 1, 1], [], []>, transpose_lhs_hint = false} : vector<96x96xf32>, vector<96x256xf32>, vector<96x256xf32> -> vector<96x256xf32>
    %logistic3A = arith.negf %dot_general3A_47 : vector<96x256xf32>
    %logistic3A_48 = math.exp %logistic3A : vector<96x256xf32>
    %logistic3A_49 = arith.constant 1.000000e+00 : f32
    %logistic3A_50 = vector.broadcast %logistic3A_49 : f32 to vector<96x256xf32>
    %logistic3A_51 = arith.addf %logistic3A_50, %logistic3A_48 : vector<96x256xf32>
    %logistic3A_52 = arith.divf %logistic3A_50, %logistic3A_51 : vector<96x256xf32>
    %mul3A_53 = arith.mulf %dot_general3A_47, %logistic3A_52 : vector<96x256xf32>
    %dot_general3A_54 = arith.constant dense<0.000000e+00> : vector<96x256xf32>
    %dot_general3A_55 = tpu.matmul %get3A_45, %mul3A_53, %dot_general3A_54 {dimension_numbers = #tpu.dot_dimension_numbers<[1], [0], [0], [1], [0, 0, 1, 1], [], []>, transpose_lhs_hint = false} : vector<96x96xf32>, vector<96x256xf32>, vector<96x256xf32> -> vector<96x256xf32>
    %add3A_56 = arith.addf %get3A_9, %dot_general3A_55 : vector<96x256xf32>
    %swap3A = arith.index_cast %scan3A : i32 to index
    %swap3A_57 = arith.constant 0 : index
    %swap3A_58 = arith.constant 0 : index
    %swap3A_59 = vector.load %arg6[%swap3A, %swap3A_57, %swap3A_58] : memref<8x96x256xf32, #tpu.memory_space<vmem>>, vector<1x96x256xf32>
    %swap3A_60 = vector.shape_cast %swap3A_59 : vector<1x96x256xf32> to vector<96x256xf32>
    %swap3A_61 = vector.shape_cast %add3A_56 : vector<96x256xf32> to vector<1x96x256xf32>
    tpu.vector_store %arg6[%swap3A, %swap3A_57, %swap3A_58], %swap3A_61 {strides = array<i32>} : memref<8x96x256xf32, #tpu.memory_space<vmem>>, vector<1x96x256xf32>,
    %scan3A_62 = arith.constant 1 : i32
    %get3A_63 = arith.index_cast %scan3A_62 : i32 to index
    %get3A_64 = arith.constant 0 : index
    %get3A_65 = arith.constant 0 : index
    %get3A_66 = vector.load %arg1[%get3A_63, %get3A_64, %get3A_65] : memref<8x96x256xf32, #tpu.memory_space<vmem>>, vector<1x96x256xf32>
    %get3A_67 = vector.shape_cast %get3A_66 : vector<1x96x256xf32> to vector<96x256xf32>
    %mul3A_68 = arith.mulf %get3A_67, %get3A_67 : vector<96x256xf32>
    %reduce_sum3A_69 = arith.constant dense<0.000000e+00> : vector<256xf32>
    %reduce_sum3A_70 = vector.multi_reduction <add>, %mul3A_68, %reduce_sum3A_69 [0] : vector<96x256xf32> to vector<256xf32>
    %broadcast_in_dim3A_71 = vector.shape_cast %reduce_sum3A_70 : vector<256xf32> to vector<1x256xf32>
    %div3A_72 = arith.constant 9.600000e+01 : f32
    %div3A_73 = vector.broadcast %div3A_72 : f32 to vector<1x256xf32>
    %div3A_74 = arith.divf %broadcast_in_dim3A_71, %div3A_73 : vector<1x256xf32>
    %add3A_75 = arith.constant 9.99999997E-7 : f32
    %add3A_76 = vector.broadcast %add3A_75 : f32 to vector<1x256xf32>
    %add3A_77 = arith.addf %div3A_74, %add3A_76 : vector<1x256xf32>
    %rsqrt3A_78 = math.rsqrt %add3A_77 : vector<1x256xf32>
    %mul3A_79 = vector.broadcast %rsqrt3A_78 : vector<1x256xf32> to vector<96x256xf32>
    %mul3A_80 = arith.mulf %get3A_67, %mul3A_79 : vector<96x256xf32>
    %mul3A_81 = vector.broadcast %get3A_1 : vector<96x1xf32> to vector<96x256xf32>
    %mul3A_82 = arith.mulf %mul3A_80, %mul3A_81 : vector<96x256xf32>
    %reduce_sum3A_83 = arith.constant dense<0.000000e+00> : vector<96xf32>
    %reduce_sum3A_84 = vector.multi_reduction <add>, %mul3A_82, %reduce_sum3A_83 [1] : vector<96x256xf32> to vector<96xf32>
    %broadcast_in_dim3A_85 = vector.shape_cast %reduce_sum3A_84 : vector<96xf32> to vector<96x1xf32>
    %div3A_86 = arith.constant 2.560000e+02 : f32
    %div3A_87 = vector.broadcast %div3A_86 : f32 to vector<96x1xf32>
    %div3A_88 = arith.divf %broadcast_in_dim3A_85, %div3A_87 : vector<96x1xf32>
    %dot_general3A_89 = arith.constant dense<0.000000e+00> : vector<1x16xf32>
    %dot_general3A_90 = tpu.matmul %div3A_88, %get3A_4, %dot_general3A_89 {dimension_numbers = #tpu.dot_dimension_numbers<[0], [0], [1], [1], [0, 1, 1, 1], [], []>, transpose_lhs_hint = false} : vector<96x1xf32>, vector<96x16xf32>, vector<1x16xf32> -> vector<1x16xf32>
    %reduce_max3A_91 = vector.shape_cast %dot_general3A_90 : vector<1x16xf32> to vector<1x1x16xf32>
    %reduce_max3A_92 = arith.constant dense<0xFF800000> : vector<1xf32>
    %reduce_max3A_93 = vector.multi_reduction <maximumf>, %reduce_max3A_91, %reduce_max3A_92 [1, 2] : vector<1x1x16xf32> to vector<1xf32>
    %reduce_max3A_94 = vector.shape_cast %reduce_max3A_93 : vector<1xf32> to vector<1x1x1xf32>
    %reduce_max3A_95 = vector.extract %reduce_max3A_94[0, 0, 0] : f32 from vector<1x1x1xf32>
    %iota3A_96 = tpu.iota {dimensions = array<i32: 1>} : vector<1x16xi32>
    %ge3A_97 = vector.broadcast %reduce_max3A_95 : f32 to vector<1x16xf32>
    %ge3A_98 = arith.cmpf oge, %dot_general3A_90, %ge3A_97 : vector<1x16xf32>
    %jit3A_99 = arith.constant 16 : i32
    %broadcast_in_dim3A_100 = vector.broadcast %jit3A_99 : i32 to vector<1x16xi32>
    %select_n3A_101 = arith.select %ge3A_98, %iota3A_96, %broadcast_in_dim3A_100 : vector<1x16xi1>, vector<1x16xi32>
    %reduce_min3A_102 = vector.shape_cast %select_n3A_101 : vector<1x16xi32> to vector<1x1x16xi32>
    %reduce_min3A_103 = arith.constant dense<2147483647> : vector<1xi32>
    %reduce_min3A_104 = vector.multi_reduction <minsi>, %reduce_min3A_102, %reduce_min3A_103 [1, 2] : vector<1x1x16xi32> to vector<1xi32>
    %reduce_min3A_105 = vector.shape_cast %reduce_min3A_104 : vector<1xi32> to vector<1x1x1xi32>
    %reduce_min3A_106 = vector.extract %reduce_min3A_105[0, 0, 0] : i32 from vector<1x1x1xi32>
    %get3A_107 = arith.index_cast %reduce_min3A_106 : i32 to index
    %get3A_108 = arith.constant 0 : index
    %get3A_109 = arith.constant 0 : index
    %get3A_110 = vector.load %arg4[%get3A_107, %get3A_108, %get3A_109] : memref<16x96x96xf32, #tpu.memory_space<vmem>>, vector<1x96x96xf32>
    %get3A_111 = vector.shape_cast %get3A_110 : vector<1x96x96xf32> to vector<96x96xf32>
    %get3A_112 = arith.index_cast %reduce_min3A_106 : i32 to index
    %get3A_113 = arith.constant 0 : index
    %get3A_114 = arith.constant 0 : index
    %get3A_115 = vector.load %arg5[%get3A_112, %get3A_113, %get3A_114] : memref<16x96x96xf32, #tpu.memory_space<vmem>>, vector<1x96x96xf32>
    %get3A_116 = vector.shape_cast %get3A_115 : vector<1x96x96xf32> to vector<96x96xf32>
    %dot_general3A_117 = arith.constant dense<0.000000e+00> : vector<96x256xf32>
    %dot_general3A_118 = tpu.matmul %get3A_111, %mul3A_82, %dot_general3A_117 {dimension_numbers = #tpu.dot_dimension_numbers<[1], [0], [0], [1], [0, 0, 1, 1], [], []>, transpose_lhs_hint = false} : vector<96x96xf32>, vector<96x256xf32>, vector<96x256xf32> -> vector<96x256xf32>
    %logistic3A_119 = arith.negf %dot_general3A_118 : vector<96x256xf32>
    %logistic3A_120 = math.exp %logistic3A_119 : vector<96x256xf32>
    %logistic3A_121 = arith.constant 1.000000e+00 : f32
    %logistic3A_122 = vector.broadcast %logistic3A_121 : f32 to vector<96x256xf32>
    %logistic3A_123 = arith.addf %logistic3A_122, %logistic3A_120 : vector<96x256xf32>
    %logistic3A_124 = arith.divf %logistic3A_122, %logistic3A_123 : vector<96x256xf32>
    %mul3A_125 = arith.mulf %dot_general3A_118, %logistic3A_124 : vector<96x256xf32>
    %dot_general3A_126 = arith.constant dense<0.000000e+00> : vector<96x256xf32>
    %dot_general3A_127 = tpu.matmul %get3A_116, %mul3A_125, %dot_general3A_126 {dimension_numbers = #tpu.dot_dimension_numbers<[1], [0], [0], [1], [0, 0, 1, 1], [], []>, transpose_lhs_hint = false} : vector<96x96xf32>, vector<96x256xf32>, vector<96x256xf32> -> vector<96x256xf32>
    %add3A_128 = arith.addf %get3A_67, %dot_general3A_127 : vector<96x256xf32>
    %swap3A_129 = arith.index_cast %scan3A_62 : i32 to index
    %swap3A_130 = arith.constant 0 : index
    %swap3A_131 = arith.constant 0 : index
    %swap3A_132 = vector.load %arg6[%swap3A_129, %swap3A_130, %swap3A_131] : memref<8x96x256xf32, #tpu.memory_space<vmem>>, vector<1x96x256xf32>
    %swap3A_133 = vector.shape_cast %swap3A_132 : vector<1x96x256xf32> to vector<96x256xf32>
    %swap3A_134 = vector.shape_cast %add3A_128 : vector<96x256xf32> to vector<1x96x256xf32>
    tpu.vector_store %arg6[%swap3A_129, %swap3A_130, %swap3A_131], %swap3A_134 {strides = array<i32>} : memref<8x96x256xf32, #tpu.memory_space<vmem>>, vector<1x96x256xf32>,
    %scan3A_135 = arith.constant 2 : i32
    %get3A_136 = arith.index_cast %scan3A_135 : i32 to index
    %get3A_137 = arith.constant 0 : index
    %get3A_138 = arith.constant 0 : index
    %get3A_139 = vector.load %arg1[%get3A_136, %get3A_137, %get3A_138] : memref<8x96x256xf32, #tpu.memory_space<vmem>>, vector<1x96x256xf32>
    %get3A_140 = vector.shape_cast %get3A_139 : vector<1x96x256xf32> to vector<96x256xf32>
    %mul3A_141 = arith.mulf %get3A_140, %get3A_140 : vector<96x256xf32>
    %reduce_sum3A_142 = arith.constant dense<0.000000e+00> : vector<256xf32>
    %reduce_sum3A_143 = vector.multi_reduction <add>, %mul3A_141, %reduce_sum3A_142 [0] : vector<96x256xf32> to vector<256xf32>
    %broadcast_in_dim3A_144 = vector.shape_cast %reduce_sum3A_143 : vector<256xf32> to vector<1x256xf32>
    %div3A_145 = arith.constant 9.600000e+01 : f32
    %div3A_146 = vector.broadcast %div3A_145 : f32 to vector<1x256xf32>
    %div3A_147 = arith.divf %broadcast_in_dim3A_144, %div3A_146 : vector<1x256xf32>
    %add3A_148 = arith.constant 9.99999997E-7 : f32
    %add3A_149 = vector.broadcast %add3A_148 : f32 to vector<1x256xf32>
    %add3A_150 = arith.addf %div3A_147, %add3A_149 : vector<1x256xf32>
    %rsqrt3A_151 = math.rsqrt %add3A_150 : vector<1x256xf32>
    %mul3A_152 = vector.broadcast %rsqrt3A_151 : vector<1x256xf32> to vector<96x256xf32>
    %mul3A_153 = arith.mulf %get3A_140, %mul3A_152 : vector<96x256xf32>
    %mul3A_154 = vector.broadcast %get3A_1 : vector<96x1xf32> to vector<96x256xf32>
    %mul3A_155 = arith.mulf %mul3A_153, %mul3A_154 : vector<96x256xf32>
    %reduce_sum3A_156 = arith.constant dense<0.000000e+00> : vector<96xf32>
    %reduce_sum3A_157 = vector.multi_reduction <add>, %mul3A_155, %reduce_sum3A_156 [1] : vector<96x256xf32> to vector<96xf32>
    %broadcast_in_dim3A_158 = vector.shape_cast %reduce_sum3A_157 : vector<96xf32> to vector<96x1xf32>
    %div3A_159 = arith.constant 2.560000e+02 : f32
    %div3A_160 = vector.broadcast %div3A_159 : f32 to vector<96x1xf32>
    %div3A_161 = arith.divf %broadcast_in_dim3A_158, %div3A_160 : vector<96x1xf32>
    %dot_general3A_162 = arith.constant dense<0.000000e+00> : vector<1x16xf32>
    %dot_general3A_163 = tpu.matmul %div3A_161, %get3A_4, %dot_general3A_162 {dimension_numbers = #tpu.dot_dimension_numbers<[0], [0], [1], [1], [0, 1, 1, 1], [], []>, transpose_lhs_hint = false} : vector<96x1xf32>, vector<96x16xf32>, vector<1x16xf32> -> vector<1x16xf32>
    %reduce_max3A_164 = vector.shape_cast %dot_general3A_163 : vector<1x16xf32> to vector<1x1x16xf32>
    %reduce_max3A_165 = arith.constant dense<0xFF800000> : vector<1xf32>
    %reduce_max3A_166 = vector.multi_reduction <maximumf>, %reduce_max3A_164, %reduce_max3A_165 [1, 2] : vector<1x1x16xf32> to vector<1xf32>
    %reduce_max3A_167 = vector.shape_cast %reduce_max3A_166 : vector<1xf32> to vector<1x1x1xf32>
    %reduce_max3A_168 = vector.extract %reduce_max3A_167[0, 0, 0] : f32 from vector<1x1x1xf32>
    %iota3A_169 = tpu.iota {dimensions = array<i32: 1>} : vector<1x16xi32>
    %ge3A_170 = vector.broadcast %reduce_max3A_168 : f32 to vector<1x16xf32>
    %ge3A_171 = arith.cmpf oge, %dot_general3A_163, %ge3A_170 : vector<1x16xf32>
    %jit3A_172 = arith.constant 16 : i32
    %broadcast_in_dim3A_173 = vector.broadcast %jit3A_172 : i32 to vector<1x16xi32>
    %select_n3A_174 = arith.select %ge3A_171, %iota3A_169, %broadcast_in_dim3A_173 : vector<1x16xi1>, vector<1x16xi32>
    %reduce_min3A_175 = vector.shape_cast %select_n3A_174 : vector<1x16xi32> to vector<1x1x16xi32>
    %reduce_min3A_176 = arith.constant dense<2147483647> : vector<1xi32>
    %reduce_min3A_177 = vector.multi_reduction <minsi>, %reduce_min3A_175, %reduce_min3A_176 [1, 2] : vector<1x1x16xi32> to vector<1xi32>
    %reduce_min3A_178 = vector.shape_cast %reduce_min3A_177 : vector<1xi32> to vector<1x1x1xi32>
    %reduce_min3A_179 = vector.extract %reduce_min3A_178[0, 0, 0] : i32 from vector<1x1x1xi32>
    %get3A_180 = arith.index_cast %reduce_min3A_179 : i32 to index
    %get3A_181 = arith.constant 0 : index
    %get3A_182 = arith.constant 0 : index
    %get3A_183 = vector.load %arg4[%get3A_180, %get3A_181, %get3A_182] : memref<16x96x96xf32, #tpu.memory_space<vmem>>, vector<1x96x96xf32>
    %get3A_184 = vector.shape_cast %get3A_183 : vector<1x96x96xf32> to vector<96x96xf32>
    %get3A_185 = arith.index_cast %reduce_min3A_179 : i32 to index
    %get3A_186 = arith.constant 0 : index
    %get3A_187 = arith.constant 0 : index
    %get3A_188 = vector.load %arg5[%get3A_185, %get3A_186, %get3A_187] : memref<16x96x96xf32, #tpu.memory_space<vmem>>, vector<1x96x96xf32>
    %get3A_189 = vector.shape_cast %get3A_188 : vector<1x96x96xf32> to vector<96x96xf32>
    %dot_general3A_190 = arith.constant dense<0.000000e+00> : vector<96x256xf32>
    %dot_general3A_191 = tpu.matmul %get3A_184, %mul3A_155, %dot_general3A_190 {dimension_numbers = #tpu.dot_dimension_numbers<[1], [0], [0], [1], [0, 0, 1, 1], [], []>, transpose_lhs_hint = false} : vector<96x96xf32>, vector<96x256xf32>, vector<96x256xf32> -> vector<96x256xf32>
    %logistic3A_192 = arith.negf %dot_general3A_191 : vector<96x256xf32>
    %logistic3A_193 = math.exp %logistic3A_192 : vector<96x256xf32>
    %logistic3A_194 = arith.constant 1.000000e+00 : f32
    %logistic3A_195 = vector.broadcast %logistic3A_194 : f32 to vector<96x256xf32>
    %logistic3A_196 = arith.addf %logistic3A_195, %logistic3A_193 : vector<96x256xf32>
    %logistic3A_197 = arith.divf %logistic3A_195, %logistic3A_196 : vector<96x256xf32>
    %mul3A_198 = arith.mulf %dot_general3A_191, %logistic3A_197 : vector<96x256xf32>
    %dot_general3A_199 = arith.constant dense<0.000000e+00> : vector<96x256xf32>
    %dot_general3A_200 = tpu.matmul %get3A_189, %mul3A_198, %dot_general3A_199 {dimension_numbers = #tpu.dot_dimension_numbers<[1], [0], [0], [1], [0, 0, 1, 1], [], []>, transpose_lhs_hint = false} : vector<96x96xf32>, vector<96x256xf32>, vector<96x256xf32> -> vector<96x256xf32>
    %add3A_201 = arith.addf %get3A_140, %dot_general3A_200 : vector<96x256xf32>
    %swap3A_202 = arith.index_cast %scan3A_135 : i32 to index
    %swap3A_203 = arith.constant 0 : index
    %swap3A_204 = arith.constant 0 : index
    %swap3A_205 = vector.load %arg6[%swap3A_202, %swap3A_203, %swap3A_204] : memref<8x96x256xf32, #tpu.memory_space<vmem>>, vector<1x96x256xf32>
    %swap3A_206 = vector.shape_cast %swap3A_205 : vector<1x96x256xf32> to vector<96x256xf32>
    %swap3A_207 = vector.shape_cast %add3A_201 : vector<96x256xf32> to vector<1x96x256xf32>
    tpu.vector_store %arg6[%swap3A_202, %swap3A_203, %swap3A_204], %swap3A_207 {strides = array<i32>} : memref<8x96x256xf32, #tpu.memory_space<vmem>>, vector<1x96x256xf32>,
    %scan3A_208 = arith.constant 3 : i32
    %get3A_209 = arith.index_cast %scan3A_208 : i32 to index
    %get3A_210 = arith.constant 0 : index
    %get3A_211 = arith.constant 0 : index
    %get3A_212 = vector.load %arg1[%get3A_209, %get3A_210, %get3A_211] : memref<8x96x256xf32, #tpu.memory_space<vmem>>, vector<1x96x256xf32>
    %get3A_213 = vector.shape_cast %get3A_212 : vector<1x96x256xf32> to vector<96x256xf32>
    %mul3A_214 = arith.mulf %get3A_213, %get3A_213 : vector<96x256xf32>
    %reduce_sum3A_215 = arith.constant dense<0.000000e+00> : vector<256xf32>
    %reduce_sum3A_216 = vector.multi_reduction <add>, %mul3A_214, %reduce_sum3A_215 [0] : vector<96x256xf32> to vector<256xf32>
    %broadcast_in_dim3A_217 = vector.shape_cast %reduce_sum3A_216 : vector<256xf32> to vector<1x256xf32>
    %div3A_218 = arith.constant 9.600000e+01 : f32
    %div3A_219 = vector.broadcast %div3A_218 : f32 to vector<1x256xf32>
    %div3A_220 = arith.divf %broadcast_in_dim3A_217, %div3A_219 : vector<1x256xf32>
    %add3A_221 = arith.constant 9.99999997E-7 : f32
    %add3A_222 = vector.broadcast %add3A_221 : f32 to vector<1x256xf32>
    %add3A_223 = arith.addf %div3A_220, %add3A_222 : vector<1x256xf32>
    %rsqrt3A_224 = math.rsqrt %add3A_223 : vector<1x256xf32>
    %mul3A_225 = vector.broadcast %rsqrt3A_224 : vector<1x256xf32> to vector<96x256xf32>
    %mul3A_226 = arith.mulf %get3A_213, %mul3A_225 : vector<96x256xf32>
    %mul3A_227 = vector.broadcast %get3A_1 : vector<96x1xf32> to vector<96x256xf32>
    %mul3A_228 = arith.mulf %mul3A_226, %mul3A_227 : vector<96x256xf32>
    %reduce_sum3A_229 = arith.constant dense<0.000000e+00> : vector<96xf32>
    %reduce_sum3A_230 = vector.multi_reduction <add>, %mul3A_228, %reduce_sum3A_229 [1] : vector<96x256xf32> to vector<96xf32>
    %broadcast_in_dim3A_231 = vector.shape_cast %reduce_sum3A_230 : vector<96xf32> to vector<96x1xf32>
    %div3A_232 = arith.constant 2.560000e+02 : f32
    %div3A_233 = vector.broadcast %div3A_232 : f32 to vector<96x1xf32>
    %div3A_234 = arith.divf %broadcast_in_dim3A_231, %div3A_233 : vector<96x1xf32>
    %dot_general3A_235 = arith.constant dense<0.000000e+00> : vector<1x16xf32>
    %dot_general3A_236 = tpu.matmul %div3A_234, %get3A_4, %dot_general3A_235 {dimension_numbers = #tpu.dot_dimension_numbers<[0], [0], [1], [1], [0, 1, 1, 1], [], []>, transpose_lhs_hint = false} : vector<96x1xf32>, vector<96x16xf32>, vector<1x16xf32> -> vector<1x16xf32>
    %reduce_max3A_237 = vector.shape_cast %dot_general3A_236 : vector<1x16xf32> to vector<1x1x16xf32>
    %reduce_max3A_238 = arith.constant dense<0xFF800000> : vector<1xf32>
    %reduce_max3A_239 = vector.multi_reduction <maximumf>, %reduce_max3A_237, %reduce_max3A_238 [1, 2] : vector<1x1x16xf32> to vector<1xf32>
    %reduce_max3A_240 = vector.shape_cast %reduce_max3A_239 : vector<1xf32> to vector<1x1x1xf32>
    %reduce_max3A_241 = vector.extract %reduce_max3A_240[0, 0, 0] : f32 from vector<1x1x1xf32>
    %iota3A_242 = tpu.iota {dimensions = array<i32: 1>} : vector<1x16xi32>
    %ge3A_243 = vector.broadcast %reduce_max3A_241 : f32 to vector<1x16xf32>
    %ge3A_244 = arith.cmpf oge, %dot_general3A_236, %ge3A_243 : vector<1x16xf32>
    %jit3A_245 = arith.constant 16 : i32
    %broadcast_in_dim3A_246 = vector.broadcast %jit3A_245 : i32 to vector<1x16xi32>
    %select_n3A_247 = arith.select %ge3A_244, %iota3A_242, %broadcast_in_dim3A_246 : vector<1x16xi1>, vector<1x16xi32>
    %reduce_min3A_248 = vector.shape_cast %select_n3A_247 : vector<1x16xi32> to vector<1x1x16xi32>
    %reduce_min3A_249 = arith.constant dense<2147483647> : vector<1xi32>
    %reduce_min3A_250 = vector.multi_reduction <minsi>, %reduce_min3A_248, %reduce_min3A_249 [1, 2] : vector<1x1x16xi32> to vector<1xi32>
    %reduce_min3A_251 = vector.shape_cast %reduce_min3A_250 : vector<1xi32> to vector<1x1x1xi32>
    %reduce_min3A_252 = vector.extract %reduce_min3A_251[0, 0, 0] : i32 from vector<1x1x1xi32>
    %get3A_253 = arith.index_cast %reduce_min3A_252 : i32 to index
    %get3A_254 = arith.constant 0 : index
    %get3A_255 = arith.constant 0 : index
    %get3A_256 = vector.load %arg4[%get3A_253, %get3A_254, %get3A_255] : memref<16x96x96xf32, #tpu.memory_space<vmem>>, vector<1x96x96xf32>
    %get3A_257 = vector.shape_cast %get3A_256 : vector<1x96x96xf32> to vector<96x96xf32>
    %get3A_258 = arith.index_cast %reduce_min3A_252 : i32 to index
    %get3A_259 = arith.constant 0 : index
    %get3A_260 = arith.constant 0 : index
    %get3A_261 = vector.load %arg5[%get3A_258, %get3A_259, %get3A_260] : memref<16x96x96xf32, #tpu.memory_space<vmem>>, vector<1x96x96xf32>
    %get3A_262 = vector.shape_cast %get3A_261 : vector<1x96x96xf32> to vector<96x96xf32>
    %dot_general3A_263 = arith.constant dense<0.000000e+00> : vector<96x256xf32>
    %dot_general3A_264 = tpu.matmul %get3A_257, %mul3A_228, %dot_general3A_263 {dimension_numbers = #tpu.dot_dimension_numbers<[1], [0], [0], [1], [0, 0, 1, 1], [], []>, transpose_lhs_hint = false} : vector<96x96xf32>, vector<96x256xf32>, vector<96x256xf32> -> vector<96x256xf32>
    %logistic3A_265 = arith.negf %dot_general3A_264 : vector<96x256xf32>
    %logistic3A_266 = math.exp %logistic3A_265 : vector<96x256xf32>
    %logistic3A_267 = arith.constant 1.000000e+00 : f32
    %logistic3A_268 = vector.broadcast %logistic3A_267 : f32 to vector<96x256xf32>
    %logistic3A_269 = arith.addf %logistic3A_268, %logistic3A_266 : vector<96x256xf32>
    %logistic3A_270 = arith.divf %logistic3A_268, %logistic3A_269 : vector<96x256xf32>
    %mul3A_271 = arith.mulf %dot_general3A_264, %logistic3A_270 : vector<96x256xf32>
    %dot_general3A_272 = arith.constant dense<0.000000e+00> : vector<96x256xf32>
    %dot_general3A_273 = tpu.matmul %get3A_262, %mul3A_271, %dot_general3A_272 {dimension_numbers = #tpu.dot_dimension_numbers<[1], [0], [0], [1], [0, 0, 1, 1], [], []>, transpose_lhs_hint = false} : vector<96x96xf32>, vector<96x256xf32>, vector<96x256xf32> -> vector<96x256xf32>
    %add3A_274 = arith.addf %get3A_213, %dot_general3A_273 : vector<96x256xf32>
    %swap3A_275 = arith.index_cast %scan3A_208 : i32 to index
    %swap3A_276 = arith.constant 0 : index
    %swap3A_277 = arith.constant 0 : index
    %swap3A_278 = vector.load %arg6[%swap3A_275, %swap3A_276, %swap3A_277] : memref<8x96x256xf32, #tpu.memory_space<vmem>>, vector<1x96x256xf32>
    %swap3A_279 = vector.shape_cast %swap3A_278 : vector<1x96x256xf32> to vector<96x256xf32>
    %swap3A_280 = vector.shape_cast %add3A_274 : vector<96x256xf32> to vector<1x96x256xf32>
    tpu.vector_store %arg6[%swap3A_275, %swap3A_276, %swap3A_277], %swap3A_280 {strides = array<i32>} : memref<8x96x256xf32, #tpu.memory_space<vmem>>, vector<1x96x256xf32>,
    %scan3A_281 = arith.constant 4 : i32
    %get3A_282 = arith.index_cast %scan3A_281 : i32 to index
    %get3A_283 = arith.constant 0 : index
    %get3A_284 = arith.constant 0 : index
    %get3A_285 = vector.load %arg1[%get3A_282, %get3A_283, %get3A_284] : memref<8x96x256xf32, #tpu.memory_space<vmem>>, vector<1x96x256xf32>
    %get3A_286 = vector.shape_cast %get3A_285 : vector<1x96x256xf32> to vector<96x256xf32>
    %mul3A_287 = arith.mulf %get3A_286, %get3A_286 : vector<96x256xf32>
    %reduce_sum3A_288 = arith.constant dense<0.000000e+00> : vector<256xf32>
    %reduce_sum3A_289 = vector.multi_reduction <add>, %mul3A_287, %reduce_sum3A_288 [0] : vector<96x256xf32> to vector<256xf32>
    %broadcast_in_dim3A_290 = vector.shape_cast %reduce_sum3A_289 : vector<256xf32> to vector<1x256xf32>
    %div3A_291 = arith.constant 9.600000e+01 : f32
    %div3A_292 = vector.broadcast %div3A_291 : f32 to vector<1x256xf32>
    %div3A_293 = arith.divf %broadcast_in_dim3A_290, %div3A_292 : vector<1x256xf32>
    %add3A_294 = arith.constant 9.99999997E-7 : f32
    %add3A_295 = vector.broadcast %add3A_294 : f32 to vector<1x256xf32>
    %add3A_296 = arith.addf %div3A_293, %add3A_295 : vector<1x256xf32>
    %rsqrt3A_297 = math.rsqrt %add3A_296 : vector<1x256xf32>
    %mul3A_298 = vector.broadcast %rsqrt3A_297 : vector<1x256xf32> to vector<96x256xf32>
    %mul3A_299 = arith.mulf %get3A_286, %mul3A_298 : vector<96x256xf32>
    %mul3A_300 = vector.broadcast %get3A_1 : vector<96x1xf32> to vector<96x256xf32>
    %mul3A_301 = arith.mulf %mul3A_299, %mul3A_300 : vector<96x256xf32>
    %reduce_sum3A_302 = arith.constant dense<0.000000e+00> : vector<96xf32>
    %reduce_sum3A_303 = vector.multi_reduction <add>, %mul3A_301, %reduce_sum3A_302 [1] : vector<96x256xf32> to vector<96xf32>
    %broadcast_in_dim3A_304 = vector.shape_cast %reduce_sum3A_303 : vector<96xf32> to vector<96x1xf32>
    %div3A_305 = arith.constant 2.560000e+02 : f32
    %div3A_306 = vector.broadcast %div3A_305 : f32 to vector<96x1xf32>
    %div3A_307 = arith.divf %broadcast_in_dim3A_304, %div3A_306 : vector<96x1xf32>
    %dot_general3A_308 = arith.constant dense<0.000000e+00> : vector<1x16xf32>
    %dot_general3A_309 = tpu.matmul %div3A_307, %get3A_4, %dot_general3A_308 {dimension_numbers = #tpu.dot_dimension_numbers<[0], [0], [1], [1], [0, 1, 1, 1], [], []>, transpose_lhs_hint = false} : vector<96x1xf32>, vector<96x16xf32>, vector<1x16xf32> -> vector<1x16xf32>
    %reduce_max3A_310 = vector.shape_cast %dot_general3A_309 : vector<1x16xf32> to vector<1x1x16xf32>
    %reduce_max3A_311 = arith.constant dense<0xFF800000> : vector<1xf32>
    %reduce_max3A_312 = vector.multi_reduction <maximumf>, %reduce_max3A_310, %reduce_max3A_311 [1, 2] : vector<1x1x16xf32> to vector<1xf32>
    %reduce_max3A_313 = vector.shape_cast %reduce_max3A_312 : vector<1xf32> to vector<1x1x1xf32>
    %reduce_max3A_314 = vector.extract %reduce_max3A_313[0, 0, 0] : f32 from vector<1x1x1xf32>
    %iota3A_315 = tpu.iota {dimensions = array<i32: 1>} : vector<1x16xi32>
    %ge3A_316 = vector.broadcast %reduce_max3A_314 : f32 to vector<1x16xf32>
    %ge3A_317 = arith.cmpf oge, %dot_general3A_309, %ge3A_316 : vector<1x16xf32>
    %jit3A_318 = arith.constant 16 : i32
    %broadcast_in_dim3A_319 = vector.broadcast %jit3A_318 : i32 to vector<1x16xi32>
    %select_n3A_320 = arith.select %ge3A_317, %iota3A_315, %broadcast_in_dim3A_319 : vector<1x16xi1>, vector<1x16xi32>
    %reduce_min3A_321 = vector.shape_cast %select_n3A_320 : vector<1x16xi32> to vector<1x1x16xi32>
    %reduce_min3A_322 = arith.constant dense<2147483647> : vector<1xi32>
    %reduce_min3A_323 = vector.multi_reduction <minsi>, %reduce_min3A_321, %reduce_min3A_322 [1, 2] : vector<1x1x16xi32> to vector<1xi32>
    %reduce_min3A_324 = vector.shape_cast %reduce_min3A_323 : vector<1xi32> to vector<1x1x1xi32>
    %reduce_min3A_325 = vector.extract %reduce_min3A_324[0, 0, 0] : i32 from vector<1x1x1xi32>
    %get3A_326 = arith.index_cast %reduce_min3A_325 : i32 to index
    %get3A_327 = arith.constant 0 : index
    %get3A_328 = arith.constant 0 : index
    %get3A_329 = vector.load %arg4[%get3A_326, %get3A_327, %get3A_328] : memref<16x96x96xf32, #tpu.memory_space<vmem>>, vector<1x96x96xf32>
    %get3A_330 = vector.shape_cast %get3A_329 : vector<1x96x96xf32> to vector<96x96xf32>
    %get3A_331 = arith.index_cast %reduce_min3A_325 : i32 to index
    %get3A_332 = arith.constant 0 : index
    %get3A_333 = arith.constant 0 : index
    %get3A_334 = vector.load %arg5[%get3A_331, %get3A_332, %get3A_333] : memref<16x96x96xf32, #tpu.memory_space<vmem>>, vector<1x96x96xf32>
    %get3A_335 = vector.shape_cast %get3A_334 : vector<1x96x96xf32> to vector<96x96xf32>
    %dot_general3A_336 = arith.constant dense<0.000000e+00> : vector<96x256xf32>
    %dot_general3A_337 = tpu.matmul %get3A_330, %mul3A_301, %dot_general3A_336 {dimension_numbers = #tpu.dot_dimension_numbers<[1], [0], [0], [1], [0, 0, 1, 1], [], []>, transpose_lhs_hint = false} : vector<96x96xf32>, vector<96x256xf32>, vector<96x256xf32> -> vector<96x256xf32>
    %logistic3A_338 = arith.negf %dot_general3A_337 : vector<96x256xf32>
    %logistic3A_339 = math.exp %logistic3A_338 : vector<96x256xf32>
    %logistic3A_340 = arith.constant 1.000000e+00 : f32
    %logistic3A_341 = vector.broadcast %logistic3A_340 : f32 to vector<96x256xf32>
    %logistic3A_342 = arith.addf %logistic3A_341, %logistic3A_339 : vector<96x256xf32>
    %logistic3A_343 = arith.divf %logistic3A_341, %logistic3A_342 : vector<96x256xf32>
    %mul3A_344 = arith.mulf %dot_general3A_337, %logistic3A_343 : vector<96x256xf32>
    %dot_general3A_345 = arith.constant dense<0.000000e+00> : vector<96x256xf32>
    %dot_general3A_346 = tpu.matmul %get3A_335, %mul3A_344, %dot_general3A_345 {dimension_numbers = #tpu.dot_dimension_numbers<[1], [0], [0], [1], [0, 0, 1, 1], [], []>, transpose_lhs_hint = false} : vector<96x96xf32>, vector<96x256xf32>, vector<96x256xf32> -> vector<96x256xf32>
    %add3A_347 = arith.addf %get3A_286, %dot_general3A_346 : vector<96x256xf32>
    %swap3A_348 = arith.index_cast %scan3A_281 : i32 to index
    %swap3A_349 = arith.constant 0 : index
    %swap3A_350 = arith.constant 0 : index
    %swap3A_351 = vector.load %arg6[%swap3A_348, %swap3A_349, %swap3A_350] : memref<8x96x256xf32, #tpu.memory_space<vmem>>, vector<1x96x256xf32>
    %swap3A_352 = vector.shape_cast %swap3A_351 : vector<1x96x256xf32> to vector<96x256xf32>
    %swap3A_353 = vector.shape_cast %add3A_347 : vector<96x256xf32> to vector<1x96x256xf32>
    tpu.vector_store %arg6[%swap3A_348, %swap3A_349, %swap3A_350], %swap3A_353 {strides = array<i32>} : memref<8x96x256xf32, #tpu.memory_space<vmem>>, vector<1x96x256xf32>,
    %scan3A_354 = arith.constant 5 : i32
    %get3A_355 = arith.index_cast %scan3A_354 : i32 to index
    %get3A_356 = arith.constant 0 : index
    %get3A_357 = arith.constant 0 : index
    %get3A_358 = vector.load %arg1[%get3A_355, %get3A_356, %get3A_357] : memref<8x96x256xf32, #tpu.memory_space<vmem>>, vector<1x96x256xf32>
    %get3A_359 = vector.shape_cast %get3A_358 : vector<1x96x256xf32> to vector<96x256xf32>
    %mul3A_360 = arith.mulf %get3A_359, %get3A_359 : vector<96x256xf32>
    %reduce_sum3A_361 = arith.constant dense<0.000000e+00> : vector<256xf32>
    %reduce_sum3A_362 = vector.multi_reduction <add>, %mul3A_360, %reduce_sum3A_361 [0] : vector<96x256xf32> to vector<256xf32>
    %broadcast_in_dim3A_363 = vector.shape_cast %reduce_sum3A_362 : vector<256xf32> to vector<1x256xf32>
    %div3A_364 = arith.constant 9.600000e+01 : f32
    %div3A_365 = vector.broadcast %div3A_364 : f32 to vector<1x256xf32>
    %div3A_366 = arith.divf %broadcast_in_dim3A_363, %div3A_365 : vector<1x256xf32>
    %add3A_367 = arith.constant 9.99999997E-7 : f32
    %add3A_368 = vector.broadcast %add3A_367 : f32 to vector<1x256xf32>
    %add3A_369 = arith.addf %div3A_366, %add3A_368 : vector<1x256xf32>
    %rsqrt3A_370 = math.rsqrt %add3A_369 : vector<1x256xf32>
    %mul3A_371 = vector.broadcast %rsqrt3A_370 : vector<1x256xf32> to vector<96x256xf32>
    %mul3A_372 = arith.mulf %get3A_359, %mul3A_371 : vector<96x256xf32>
    %mul3A_373 = vector.broadcast %get3A_1 : vector<96x1xf32> to vector<96x256xf32>
    %mul3A_374 = arith.mulf %mul3A_372, %mul3A_373 : vector<96x256xf32>
    %reduce_sum3A_375 = arith.constant dense<0.000000e+00> : vector<96xf32>
    %reduce_sum3A_376 = vector.multi_reduction <add>, %mul3A_374, %reduce_sum3A_375 [1] : vector<96x256xf32> to vector<96xf32>
    %broadcast_in_dim3A_377 = vector.shape_cast %reduce_sum3A_376 : vector<96xf32> to vector<96x1xf32>
    %div3A_378 = arith.constant 2.560000e+02 : f32
    %div3A_379 = vector.broadcast %div3A_378 : f32 to vector<96x1xf32>
    %div3A_380 = arith.divf %broadcast_in_dim3A_377, %div3A_379 : vector<96x1xf32>
    %dot_general3A_381 = arith.constant dense<0.000000e+00> : vector<1x16xf32>
    %dot_general3A_382 = tpu.matmul %div3A_380, %get3A_4, %dot_general3A_381 {dimension_numbers = #tpu.dot_dimension_numbers<[0], [0], [1], [1], [0, 1, 1, 1], [], []>, transpose_lhs_hint = false} : vector<96x1xf32>, vector<96x16xf32>, vector<1x16xf32> -> vector<1x16xf32>
    %reduce_max3A_383 = vector.shape_cast %dot_general3A_382 : vector<1x16xf32> to vector<1x1x16xf32>
    %reduce_max3A_384 = arith.constant dense<0xFF800000> : vector<1xf32>
    %reduce_max3A_385 = vector.multi_reduction <maximumf>, %reduce_max3A_383, %reduce_max3A_384 [1, 2] : vector<1x1x16xf32> to vector<1xf32>
    %reduce_max3A_386 = vector.shape_cast %reduce_max3A_385 : vector<1xf32> to vector<1x1x1xf32>
    %reduce_max3A_387 = vector.extract %reduce_max3A_386[0, 0, 0] : f32 from vector<1x1x1xf32>
    %iota3A_388 = tpu.iota {dimensions = array<i32: 1>} : vector<1x16xi32>
    %ge3A_389 = vector.broadcast %reduce_max3A_387 : f32 to vector<1x16xf32>
    %ge3A_390 = arith.cmpf oge, %dot_general3A_382, %ge3A_389 : vector<1x16xf32>
    %jit3A_391 = arith.constant 16 : i32
    %broadcast_in_dim3A_392 = vector.broadcast %jit3A_391 : i32 to vector<1x16xi32>
    %select_n3A_393 = arith.select %ge3A_390, %iota3A_388, %broadcast_in_dim3A_392 : vector<1x16xi1>, vector<1x16xi32>
    %reduce_min3A_394 = vector.shape_cast %select_n3A_393 : vector<1x16xi32> to vector<1x1x16xi32>
    %reduce_min3A_395 = arith.constant dense<2147483647> : vector<1xi32>
    %reduce_min3A_396 = vector.multi_reduction <minsi>, %reduce_min3A_394, %reduce_min3A_395 [1, 2] : vector<1x1x16xi32> to vector<1xi32>
    %reduce_min3A_397 = vector.shape_cast %reduce_min3A_396 : vector<1xi32> to vector<1x1x1xi32>
    %reduce_min3A_398 = vector.extract %reduce_min3A_397[0, 0, 0] : i32 from vector<1x1x1xi32>
    %get3A_399 = arith.index_cast %reduce_min3A_398 : i32 to index
    %get3A_400 = arith.constant 0 : index
    %get3A_401 = arith.constant 0 : index
    %get3A_402 = vector.load %arg4[%get3A_399, %get3A_400, %get3A_401] : memref<16x96x96xf32, #tpu.memory_space<vmem>>, vector<1x96x96xf32>
    %get3A_403 = vector.shape_cast %get3A_402 : vector<1x96x96xf32> to vector<96x96xf32>
    %get3A_404 = arith.index_cast %reduce_min3A_398 : i32 to index
    %get3A_405 = arith.constant 0 : index
    %get3A_406 = arith.constant 0 : index
    %get3A_407 = vector.load %arg5[%get3A_404, %get3A_405, %get3A_406] : memref<16x96x96xf32, #tpu.memory_space<vmem>>, vector<1x96x96xf32>
    %get3A_408 = vector.shape_cast %get3A_407 : vector<1x96x96xf32> to vector<96x96xf32>
    %dot_general3A_409 = arith.constant dense<0.000000e+00> : vector<96x256xf32>
    %dot_general3A_410 = tpu.matmul %get3A_403, %mul3A_374, %dot_general3A_409 {dimension_numbers = #tpu.dot_dimension_numbers<[1], [0], [0], [1], [0, 0, 1, 1], [], []>, transpose_lhs_hint = false} : vector<96x96xf32>, vector<96x256xf32>, vector<96x256xf32> -> vector<96x256xf32>
    %logistic3A_411 = arith.negf %dot_general3A_410 : vector<96x256xf32>
    %logistic3A_412 = math.exp %logistic3A_411 : vector<96x256xf32>
    %logistic3A_413 = arith.constant 1.000000e+00 : f32
    %logistic3A_414 = vector.broadcast %logistic3A_413 : f32 to vector<96x256xf32>
    %logistic3A_415 = arith.addf %logistic3A_414, %logistic3A_412 : vector<96x256xf32>
    %logistic3A_416 = arith.divf %logistic3A_414, %logistic3A_415 : vector<96x256xf32>
    %mul3A_417 = arith.mulf %dot_general3A_410, %logistic3A_416 : vector<96x256xf32>
    %dot_general3A_418 = arith.constant dense<0.000000e+00> : vector<96x256xf32>
    %dot_general3A_419 = tpu.matmul %get3A_408, %mul3A_417, %dot_general3A_418 {dimension_numbers = #tpu.dot_dimension_numbers<[1], [0], [0], [1], [0, 0, 1, 1], [], []>, transpose_lhs_hint = false} : vector<96x96xf32>, vector<96x256xf32>, vector<96x256xf32> -> vector<96x256xf32>
    %add3A_420 = arith.addf %get3A_359, %dot_general3A_419 : vector<96x256xf32>
    %swap3A_421 = arith.index_cast %scan3A_354 : i32 to index
    %swap3A_422 = arith.constant 0 : index
    %swap3A_423 = arith.constant 0 : index
    %swap3A_424 = vector.load %arg6[%swap3A_421, %swap3A_422, %swap3A_423] : memref<8x96x256xf32, #tpu.memory_space<vmem>>, vector<1x96x256xf32>
    %swap3A_425 = vector.shape_cast %swap3A_424 : vector<1x96x256xf32> to vector<96x256xf32>
    %swap3A_426 = vector.shape_cast %add3A_420 : vector<96x256xf32> to vector<1x96x256xf32>
    tpu.vector_store %arg6[%swap3A_421, %swap3A_422, %swap3A_423], %swap3A_426 {strides = array<i32>} : memref<8x96x256xf32, #tpu.memory_space<vmem>>, vector<1x96x256xf32>,
    %scan3A_427 = arith.constant 6 : i32
    %get3A_428 = arith.index_cast %scan3A_427 : i32 to index
    %get3A_429 = arith.constant 0 : index
    %get3A_430 = arith.constant 0 : index
    %get3A_431 = vector.load %arg1[%get3A_428, %get3A_429, %get3A_430] : memref<8x96x256xf32, #tpu.memory_space<vmem>>, vector<1x96x256xf32>
    %get3A_432 = vector.shape_cast %get3A_431 : vector<1x96x256xf32> to vector<96x256xf32>
    %mul3A_433 = arith.mulf %get3A_432, %get3A_432 : vector<96x256xf32>
    %reduce_sum3A_434 = arith.constant dense<0.000000e+00> : vector<256xf32>
    %reduce_sum3A_435 = vector.multi_reduction <add>, %mul3A_433, %reduce_sum3A_434 [0] : vector<96x256xf32> to vector<256xf32>
    %broadcast_in_dim3A_436 = vector.shape_cast %reduce_sum3A_435 : vector<256xf32> to vector<1x256xf32>
    %div3A_437 = arith.constant 9.600000e+01 : f32
    %div3A_438 = vector.broadcast %div3A_437 : f32 to vector<1x256xf32>
    %div3A_439 = arith.divf %broadcast_in_dim3A_436, %div3A_438 : vector<1x256xf32>
    %add3A_440 = arith.constant 9.99999997E-7 : f32
    %add3A_441 = vector.broadcast %add3A_440 : f32 to vector<1x256xf32>
    %add3A_442 = arith.addf %div3A_439, %add3A_441 : vector<1x256xf32>
    %rsqrt3A_443 = math.rsqrt %add3A_442 : vector<1x256xf32>
    %mul3A_444 = vector.broadcast %rsqrt3A_443 : vector<1x256xf32> to vector<96x256xf32>
    %mul3A_445 = arith.mulf %get3A_432, %mul3A_444 : vector<96x256xf32>
    %mul3A_446 = vector.broadcast %get3A_1 : vector<96x1xf32> to vector<96x256xf32>
    %mul3A_447 = arith.mulf %mul3A_445, %mul3A_446 : vector<96x256xf32>
    %reduce_sum3A_448 = arith.constant dense<0.000000e+00> : vector<96xf32>
    %reduce_sum3A_449 = vector.multi_reduction <add>, %mul3A_447, %reduce_sum3A_448 [1] : vector<96x256xf32> to vector<96xf32>
    %broadcast_in_dim3A_450 = vector.shape_cast %reduce_sum3A_449 : vector<96xf32> to vector<96x1xf32>
    %div3A_451 = arith.constant 2.560000e+02 : f32
    %div3A_452 = vector.broadcast %div3A_451 : f32 to vector<96x1xf32>
    %div3A_453 = arith.divf %broadcast_in_dim3A_450, %div3A_452 : vector<96x1xf32>
    %dot_general3A_454 = arith.constant dense<0.000000e+00> : vector<1x16xf32>
    %dot_general3A_455 = tpu.matmul %div3A_453, %get3A_4, %dot_general3A_454 {dimension_numbers = #tpu.dot_dimension_numbers<[0], [0], [1], [1], [0, 1, 1, 1], [], []>, transpose_lhs_hint = false} : vector<96x1xf32>, vector<96x16xf32>, vector<1x16xf32> -> vector<1x16xf32>
    %reduce_max3A_456 = vector.shape_cast %dot_general3A_455 : vector<1x16xf32> to vector<1x1x16xf32>
    %reduce_max3A_457 = arith.constant dense<0xFF800000> : vector<1xf32>
    %reduce_max3A_458 = vector.multi_reduction <maximumf>, %reduce_max3A_456, %reduce_max3A_457 [1, 2] : vector<1x1x16xf32> to vector<1xf32>
    %reduce_max3A_459 = vector.shape_cast %reduce_max3A_458 : vector<1xf32> to vector<1x1x1xf32>
    %reduce_max3A_460 = vector.extract %reduce_max3A_459[0, 0, 0] : f32 from vector<1x1x1xf32>
    %iota3A_461 = tpu.iota {dimensions = array<i32: 1>} : vector<1x16xi32>
    %ge3A_462 = vector.broadcast %reduce_max3A_460 : f32 to vector<1x16xf32>
    %ge3A_463 = arith.cmpf oge, %dot_general3A_455, %ge3A_462 : vector<1x16xf32>
    %jit3A_464 = arith.constant 16 : i32
    %broadcast_in_dim3A_465 = vector.broadcast %jit3A_464 : i32 to vector<1x16xi32>
    %select_n3A_466 = arith.select %ge3A_463, %iota3A_461, %broadcast_in_dim3A_465 : vector<1x16xi1>, vector<1x16xi32>
    %reduce_min3A_467 = vector.shape_cast %select_n3A_466 : vector<1x16xi32> to vector<1x1x16xi32>
    %reduce_min3A_468 = arith.constant dense<2147483647> : vector<1xi32>
    %reduce_min3A_469 = vector.multi_reduction <minsi>, %reduce_min3A_467, %reduce_min3A_468 [1, 2] : vector<1x1x16xi32> to vector<1xi32>
    %reduce_min3A_470 = vector.shape_cast %reduce_min3A_469 : vector<1xi32> to vector<1x1x1xi32>
    %reduce_min3A_471 = vector.extract %reduce_min3A_470[0, 0, 0] : i32 from vector<1x1x1xi32>
    %get3A_472 = arith.index_cast %reduce_min3A_471 : i32 to index
    %get3A_473 = arith.constant 0 : index
    %get3A_474 = arith.constant 0 : index
    %get3A_475 = vector.load %arg4[%get3A_472, %get3A_473, %get3A_474] : memref<16x96x96xf32, #tpu.memory_space<vmem>>, vector<1x96x96xf32>
    %get3A_476 = vector.shape_cast %get3A_475 : vector<1x96x96xf32> to vector<96x96xf32>
    %get3A_477 = arith.index_cast %reduce_min3A_471 : i32 to index
    %get3A_478 = arith.constant 0 : index
    %get3A_479 = arith.constant 0 : index
    %get3A_480 = vector.load %arg5[%get3A_477, %get3A_478, %get3A_479] : memref<16x96x96xf32, #tpu.memory_space<vmem>>, vector<1x96x96xf32>
    %get3A_481 = vector.shape_cast %get3A_480 : vector<1x96x96xf32> to vector<96x96xf32>
    %dot_general3A_482 = arith.constant dense<0.000000e+00> : vector<96x256xf32>
    %dot_general3A_483 = tpu.matmul %get3A_476, %mul3A_447, %dot_general3A_482 {dimension_numbers = #tpu.dot_dimension_numbers<[1], [0], [0], [1], [0, 0, 1, 1], [], []>, transpose_lhs_hint = false} : vector<96x96xf32>, vector<96x256xf32>, vector<96x256xf32> -> vector<96x256xf32>
    %logistic3A_484 = arith.negf %dot_general3A_483 : vector<96x256xf32>
    %logistic3A_485 = math.exp %logistic3A_484 : vector<96x256xf32>
    %logistic3A_486 = arith.constant 1.000000e+00 : f32
    %logistic3A_487 = vector.broadcast %logistic3A_486 : f32 to vector<96x256xf32>
    %logistic3A_488 = arith.addf %logistic3A_487, %logistic3A_485 : vector<96x256xf32>
    %logistic3A_489 = arith.divf %logistic3A_487, %logistic3A_488 : vector<96x256xf32>
    %mul3A_490 = arith.mulf %dot_general3A_483, %logistic3A_489 : vector<96x256xf32>
    %dot_general3A_491 = arith.constant dense<0.000000e+00> : vector<96x256xf32>
    %dot_general3A_492 = tpu.matmul %get3A_481, %mul3A_490, %dot_general3A_491 {dimension_numbers = #tpu.dot_dimension_numbers<[1], [0], [0], [1], [0, 0, 1, 1], [], []>, transpose_lhs_hint = false} : vector<96x96xf32>, vector<96x256xf32>, vector<96x256xf32> -> vector<96x256xf32>
    %add3A_493 = arith.addf %get3A_432, %dot_general3A_492 : vector<96x256xf32>
    %swap3A_494 = arith.index_cast %scan3A_427 : i32 to index
    %swap3A_495 = arith.constant 0 : index
    %swap3A_496 = arith.constant 0 : index
    %swap3A_497 = vector.load %arg6[%swap3A_494, %swap3A_495, %swap3A_496] : memref<8x96x256xf32, #tpu.memory_space<vmem>>, vector<1x96x256xf32>
    %swap3A_498 = vector.shape_cast %swap3A_497 : vector<1x96x256xf32> to vector<96x256xf32>
    %swap3A_499 = vector.shape_cast %add3A_493 : vector<96x256xf32> to vector<1x96x256xf32>
    tpu.vector_store %arg6[%swap3A_494, %swap3A_495, %swap3A_496], %swap3A_499 {strides = array<i32>} : memref<8x96x256xf32, #tpu.memory_space<vmem>>, vector<1x96x256xf32>,
    %scan3A_500 = arith.constant 7 : i32
    %get3A_501 = arith.index_cast %scan3A_500 : i32 to index
    %get3A_502 = arith.constant 0 : index
    %get3A_503 = arith.constant 0 : index
    %get3A_504 = vector.load %arg1[%get3A_501, %get3A_502, %get3A_503] : memref<8x96x256xf32, #tpu.memory_space<vmem>>, vector<1x96x256xf32>
    %get3A_505 = vector.shape_cast %get3A_504 : vector<1x96x256xf32> to vector<96x256xf32>
    %mul3A_506 = arith.mulf %get3A_505, %get3A_505 : vector<96x256xf32>
    %reduce_sum3A_507 = arith.constant dense<0.000000e+00> : vector<256xf32>
    %reduce_sum3A_508 = vector.multi_reduction <add>, %mul3A_506, %reduce_sum3A_507 [0] : vector<96x256xf32> to vector<256xf32>
    %broadcast_in_dim3A_509 = vector.shape_cast %reduce_sum3A_508 : vector<256xf32> to vector<1x256xf32>
    %div3A_510 = arith.constant 9.600000e+01 : f32
    %div3A_511 = vector.broadcast %div3A_510 : f32 to vector<1x256xf32>
    %div3A_512 = arith.divf %broadcast_in_dim3A_509, %div3A_511 : vector<1x256xf32>
    %add3A_513 = arith.constant 9.99999997E-7 : f32
    %add3A_514 = vector.broadcast %add3A_513 : f32 to vector<1x256xf32>
    %add3A_515 = arith.addf %div3A_512, %add3A_514 : vector<1x256xf32>
    %rsqrt3A_516 = math.rsqrt %add3A_515 : vector<1x256xf32>
    %mul3A_517 = vector.broadcast %rsqrt3A_516 : vector<1x256xf32> to vector<96x256xf32>
    %mul3A_518 = arith.mulf %get3A_505, %mul3A_517 : vector<96x256xf32>
    %mul3A_519 = vector.broadcast %get3A_1 : vector<96x1xf32> to vector<96x256xf32>
    %mul3A_520 = arith.mulf %mul3A_518, %mul3A_519 : vector<96x256xf32>
    %reduce_sum3A_521 = arith.constant dense<0.000000e+00> : vector<96xf32>
    %reduce_sum3A_522 = vector.multi_reduction <add>, %mul3A_520, %reduce_sum3A_521 [1] : vector<96x256xf32> to vector<96xf32>
    %broadcast_in_dim3A_523 = vector.shape_cast %reduce_sum3A_522 : vector<96xf32> to vector<96x1xf32>
    %div3A_524 = arith.constant 2.560000e+02 : f32
    %div3A_525 = vector.broadcast %div3A_524 : f32 to vector<96x1xf32>
    %div3A_526 = arith.divf %broadcast_in_dim3A_523, %div3A_525 : vector<96x1xf32>
    %dot_general3A_527 = arith.constant dense<0.000000e+00> : vector<1x16xf32>
    %dot_general3A_528 = tpu.matmul %div3A_526, %get3A_4, %dot_general3A_527 {dimension_numbers = #tpu.dot_dimension_numbers<[0], [0], [1], [1], [0, 1, 1, 1], [], []>, transpose_lhs_hint = false} : vector<96x1xf32>, vector<96x16xf32>, vector<1x16xf32> -> vector<1x16xf32>
    %reduce_max3A_529 = vector.shape_cast %dot_general3A_528 : vector<1x16xf32> to vector<1x1x16xf32>
    %reduce_max3A_530 = arith.constant dense<0xFF800000> : vector<1xf32>
    %reduce_max3A_531 = vector.multi_reduction <maximumf>, %reduce_max3A_529, %reduce_max3A_530 [1, 2] : vector<1x1x16xf32> to vector<1xf32>
    %reduce_max3A_532 = vector.shape_cast %reduce_max3A_531 : vector<1xf32> to vector<1x1x1xf32>
    %reduce_max3A_533 = vector.extract %reduce_max3A_532[0, 0, 0] : f32 from vector<1x1x1xf32>
    %iota3A_534 = tpu.iota {dimensions = array<i32: 1>} : vector<1x16xi32>
    %ge3A_535 = vector.broadcast %reduce_max3A_533 : f32 to vector<1x16xf32>
    %ge3A_536 = arith.cmpf oge, %dot_general3A_528, %ge3A_535 : vector<1x16xf32>
    %jit3A_537 = arith.constant 16 : i32
    %broadcast_in_dim3A_538 = vector.broadcast %jit3A_537 : i32 to vector<1x16xi32>
    %select_n3A_539 = arith.select %ge3A_536, %iota3A_534, %broadcast_in_dim3A_538 : vector<1x16xi1>, vector<1x16xi32>
    %reduce_min3A_540 = vector.shape_cast %select_n3A_539 : vector<1x16xi32> to vector<1x1x16xi32>
    %reduce_min3A_541 = arith.constant dense<2147483647> : vector<1xi32>
    %reduce_min3A_542 = vector.multi_reduction <minsi>, %reduce_min3A_540, %reduce_min3A_541 [1, 2] : vector<1x1x16xi32> to vector<1xi32>
    %reduce_min3A_543 = vector.shape_cast %reduce_min3A_542 : vector<1xi32> to vector<1x1x1xi32>
    %reduce_min3A_544 = vector.extract %reduce_min3A_543[0, 0, 0] : i32 from vector<1x1x1xi32>
    %get3A_545 = arith.index_cast %reduce_min3A_544 : i32 to index
    %get3A_546 = arith.constant 0 : index
    %get3A_547 = arith.constant 0 : index
    %get3A_548 = vector.load %arg4[%get3A_545, %get3A_546, %get3A_547] : memref<16x96x96xf32, #tpu.memory_space<vmem>>, vector<1x96x96xf32>
    %get3A_549 = vector.shape_cast %get3A_548 : vector<1x96x96xf32> to vector<96x96xf32>
    %get3A_550 = arith.index_cast %reduce_min3A_544 : i32 to index
    %get3A_551 = arith.constant 0 : index
    %get3A_552 = arith.constant 0 : index
    %get3A_553 = vector.load %arg5[%get3A_550, %get3A_551, %get3A_552] : memref<16x96x96xf32, #tpu.memory_space<vmem>>, vector<1x96x96xf32>
    %get3A_554 = vector.shape_cast %get3A_553 : vector<1x96x96xf32> to vector<96x96xf32>
    %dot_general3A_555 = arith.constant dense<0.000000e+00> : vector<96x256xf32>
    %dot_general3A_556 = tpu.matmul %get3A_549, %mul3A_520, %dot_general3A_555 {dimension_numbers = #tpu.dot_dimension_numbers<[1], [0], [0], [1], [0, 0, 1, 1], [], []>, transpose_lhs_hint = false} : vector<96x96xf32>, vector<96x256xf32>, vector<96x256xf32> -> vector<96x256xf32>
    %logistic3A_557 = arith.negf %dot_general3A_556 : vector<96x256xf32>
    %logistic3A_558 = math.exp %logistic3A_557 : vector<96x256xf32>
    %logistic3A_559 = arith.constant 1.000000e+00 : f32
    %logistic3A_560 = vector.broadcast %logistic3A_559 : f32 to vector<96x256xf32>
    %logistic3A_561 = arith.addf %logistic3A_560, %logistic3A_558 : vector<96x256xf32>
    %logistic3A_562 = arith.divf %logistic3A_560, %logistic3A_561 : vector<96x256xf32>
    %mul3A_563 = arith.mulf %dot_general3A_556, %logistic3A_562 : vector<96x256xf32>
    %dot_general3A_564 = arith.constant dense<0.000000e+00> : vector<96x256xf32>
    %dot_general3A_565 = tpu.matmul %get3A_554, %mul3A_563, %dot_general3A_564 {dimension_numbers = #tpu.dot_dimension_numbers<[1], [0], [0], [1], [0, 0, 1, 1], [], []>, transpose_lhs_hint = false} : vector<96x96xf32>, vector<96x256xf32>, vector<96x256xf32> -> vector<96x256xf32>
    %add3A_566 = arith.addf %get3A_505, %dot_general3A_565 : vector<96x256xf32>
    %swap3A_567 = arith.index_cast %scan3A_500 : i32 to index
    %swap3A_568 = arith.constant 0 : index
    %swap3A_569 = arith.constant 0 : index
    %swap3A_570 = vector.load %arg6[%swap3A_567, %swap3A_568, %swap3A_569] : memref<8x96x256xf32, #tpu.memory_space<vmem>>, vector<1x96x256xf32>
    %swap3A_571 = vector.shape_cast %swap3A_570 : vector<1x96x256xf32> to vector<96x256xf32>
    %swap3A_572 = vector.shape_cast %add3A_566 : vector<96x256xf32> to vector<1x96x256xf32>
    tpu.vector_store %arg6[%swap3A_567, %swap3A_568, %swap3A_569], %swap3A_572 {strides = array<i32>} : memref<8x96x256xf32, #tpu.memory_space<vmem>>, vector<1x96x256xf32>,
    %scan3A_573 = arith.constant 8 : i32
    return
  }
  func.func @transform_0(%arg0: i32) -> (i32, i32, i32) {
    %c0_i32 = arith.constant 0 : i32
    %c0_i32_0 = arith.constant 0 : i32
    %c0_i32_1 = arith.constant 0 : i32
    return %arg0, %c0_i32, %c0_i32_0 : i32, i32, i32
  }
  func.func @transform_1(%arg0: i32) -> (i32, i32) {
    %c0_i32 = arith.constant 0 : i32
    %c0_i32_0 = arith.constant 0 : i32
    %c0_i32_1 = arith.constant 0 : i32
    return %c0_i32, %c0_i32_0 : i32, i32
  }
  func.func @transform_2(%arg0: i32) -> (i32, i32) {
    %c0_i32 = arith.constant 0 : i32
    %c0_i32_0 = arith.constant 0 : i32
    %c0_i32_1 = arith.constant 0 : i32
    return %c0_i32, %c0_i32_0 : i32, i32
  }
  func.func @transform_3(%arg0: i32) -> (i32, i32, i32) {
    %c0_i32 = arith.constant 0 : i32
    %c0_i32_0 = arith.constant 0 : i32
    %c0_i32_1 = arith.constant 0 : i32
    %c0_i32_2 = arith.constant 0 : i32
    return %c0_i32, %c0_i32_0, %c0_i32_1 : i32, i32, i32
  }
  func.func @transform_4(%arg0: i32) -> (i32, i32, i32) {
    %c0_i32 = arith.constant 0 : i32
    %c0_i32_0 = arith.constant 0 : i32
    %c0_i32_1 = arith.constant 0 : i32
    %c0_i32_2 = arith.constant 0 : i32
    return %c0_i32, %c0_i32_0, %c0_i32_1 : i32, i32, i32
  }
  func.func @transform_5(%arg0: i32) -> (i32, i32, i32) {
    %c0_i32 = arith.constant 0 : i32
    %c0_i32_0 = arith.constant 0 : i32
    %c0_i32_1 = arith.constant 0 : i32
    return %arg0, %c0_i32, %c0_i32_0 : i32, i32, i32
  }
}

</mosaic_0001>

<sc_bundles>
// kernel: sparse-core-data-format-call.1.cloned.1.call-start
scs
called_computation.1_lowered:
.L_overlay_start_0:
0x0: {  	s1 =	sld [smem:$0x3FD9]  }
0x1: {  	s2 =	sld [smem:$0x3FFE];
	_ =	sdelay $0x1  }
0x2: {  	s3 =	srdreg.scid  }
0x3: {  	s0 =	sand.u32 $0x1, s3  }
0x4: {  	s17 =	sshll.u32 s0, $0xA;
	s1 =	sadd.s32 s2, s1  }
0x5: {  	s1 =	sadd.s32 s1, s17  }
0x6: {  	[smem:$0x3FC3] =	sst s1  }
0x7: {  	_ = 	snop  }
0x8: {  	(tm) =	ssettm $0x1  }
0x9: {  	s18 =	sld [smem:$0x3FFB];
	_ =	sdelay $0x3  }
0xa: {  	_ =	strace s18  }
0xb: {  	s1 =	sld [smem:$0x3FFC];
	_ =	sdelay $0x3  }
0xc: {  	_ =	strace s1  }
0xd: {  	s1 =	sld [smem:$0x3FFD];
	_ =	sdelay $0x3  }
0xe: {  	_ =	strace s1  }
0xf: {  	_ =	strace $0x8FFFFFFF  }
0x10: {  	s19 =	sld [smem:$0x3FDB];
	_ =	sdelay $0x1  }
0x11: {  	s20 =	simm.s32 $_scs_section_size  }
0x12: {  	s4 =	simm.s32 $_size__tile_overlayer_lowered;
	s5 =	simm.s32 $_tile_overlayer_lowered  }
0x13: {  	s23 =	simm.s32 $0x1BFF;
	s22 =	sshll.u32 s5, $0x1;
	s1 =	sadd.s32 s20, s19  }
0x14: {  	s6 =	simm.s32 $0x0;
	s21 =	sshll.u32 s4, $0x1;
	s4 =	sadd.s32 s22, s1  }
0x15: {  	[timem:s6], [sflag:s23] =	dma.local [hbm:s4], s21  }
0x16: {  	_ =	swait.ge [sflag:s23], s21  }
0x17: {  	s2 =	ssub.s32 $0x0, s21;
	[sflag:s23] =	ssyncset.done $0x0  }
0x18: {  	[sflag:s23] =	ssyncadd.s32 s2;
	_ =	sdelay $0x1  }
0x19: {  	s24 =	simm.s32 $0x1B8B  }
0x1a: {  	_ =	swait.ge [sflag:s24], $0x1  }
0x1b: {  	[sflag:s24] =	ssyncset.done $0x0  }
0x1c: {  	s26 =	simm.s32 $0x1B8E;
	s25 =	sld [smem:$0x3FFE];
	[sflag:s24] =	ssyncadd.s32 $0xFFFFFFFF  }
0x1d: {  	s27 =	simm.s32 $execute0_lowered;
	[smem:$0x3FD2] =	sst s26  }
0x1e: {  	s4 =	sshll.u32 s27, $0x1;
	_ =	strace $0x80000049;
	[dreg:$0x1] =	wrdreg $0xFFFFFFFF  }
0x1f: {  	s28 =	simm.s32 $_size_execute0_lowered;
	s1 =	sadd.s32 s1, s4;
	[dreg:$0x0] =	wrdreg $0x0  }
0x20: {  	s4 =	sshll.u32 s28, $0x1;
	[dreg:$0x2] =	wrdreg s1  }
0x21: {  	[dreg:$0x3] =	wrdreg s4  }
0x22: {  	[dreg:$0x4] =	wrdreg $0xC0  }
0x23: {  	_ =	task [dreg:s6], $0x5FFFF  }
0x24: {  	[dreg:$0x1] =	wrdreg $0xFFFFFFFF  }
0x25: {  	[dreg:$0x0] =	wrdreg $0x60  }
0x26: {  	[dreg:$0x2] =	wrdreg s25  }
0x27: {  	[dreg:$0x3] =	wrdreg $0x9  }
0x28: {  	_ =	task.clear_ibuf [dreg:s6], $0x4FFFF;
	_ =	strace $0x90000049  }
0x29: {  	s29 =	simm.s32 $0x9;
	_ =	strace $0x8000004B  }
0x2a: {  	_ =	swait.ge [sflag:s29], $0x1  }
0x2b: {  	[sflag:s29] =	ssyncadd.s32 $0xFFFFFFFF  }
0x2c: {  	_ =	strace $0x9000004B  }
0x2d: {  	_ =	sfence  }
0x2e: {  	s30 =	sld [smem:$0x0];
	_ =	sdelay $0x2  }
0x2f: {  	s31 =	sshll.u32 s3, $0xD;
	s3 =	sshrl.u32 s3, $0x2  }
0x30: {  	s2 =	sand.u32 $0x4000, s31;
	s1 =	sadd.s32 s3, s30  }
0x31: {  	s0 =	sor.u32 s2, s0;
	s1 =	sshll.u32 s1, $0x11  }
0x32: {  	s0 =	sor.u32 s1, s0  }
0x33: {  	s0 =	sadd.s32 $0x8F2B, s0  }
0x34: {  	[sflag:s0] =	ssyncadd.remote.s32 $0x1  }
0x35: {  	_ =	sfence.sel $0xFFFF  }
0x36: {  	[dreg:$0x0] =	wrdreg $0xFFFFFFFF;
	(pc) =	sbr.abs _section_cstart, $3  }
0x37: {  	[dreg:$0x1] =	wrdreg $0xFFFFFFFF  }
0x38: {  	_ =	task.clear_ibuf [dreg:s6], $0x2FFFF;
	_ =	strace $0x9FFFFFFF  }
0x39: {  	(tm) =	ssettm $0x7FFFFFFF  }
tec
execute0_lowered:
.L_overlay_start_1:
0x0: {  	(tag) =	ssettag $0x1  }
0x1: {  	s0 =	stileid.u32;
	s2 =	srdreg.scid  }
0x2: {  	s8 =	rddreg [dreg:$0x0];
	s31 =	simm.s32 $0x2;
	s18 =	simm.s32 $0x0  }
0x3: {  	s10 =	simm.s32 $0x800;
	s11 =	simm.s32 $0x7000;
	s12 =	simm.s32 $0x0  }
0x4: {  	s1 =	sand.u32 $0x1, s0;
	s2 =	sshll.u32 s2, $0x3;
	s3 =	sshrl.u32 s0, $0x1  }
0x5: {  	s4 =	ssub.s32 $0x2, s1;
	s2 =	sand.u32 $0x8, s2;
	s6 =	ssub.s32 $0x15, s3  }
0x6: {  	s5 =	sshrl.u32 s4, $0x1;
	s4 =	sand.u32 $0x1, s4;
	s7 =	ssub.s32 $0x10, s2  }
0x7: {  	s28 =	sshrl.u32 s6, $0x3;
	s4 =	sadd.s32 s4, s5;
	s29 =	sshrl.u32 s7, $0x3  }
0x8: {  	s7 =	sshrl.u32 s7, $0x4;
	s6 =	sand.u32 $0x1, s29;
	s5 =	smul.u32 s4, s28  }
0x9: {  	s17 =	simm.s32 $0x0;
	s19 =	simm.s32 $0x0;
	s6 =	sadd.s32 s7, s6  }
0xa: {  	s20 =	simm.s32 $0x0;
	s13 =	simm.s32 $0x0;
	s6 =	smul.u32 s6, s5  }
.Ltmp0:
0xb: {  	s16 =	simm.s32 $0x0;
	s14 =	smov.u32 s3;
	(pc) =	sbr.rel .LBB1_1-.Ltmp0, $4  }
0xc: {  	s15 =	smov.u32 s1;
	s30 =	sshll.u32 s2, $0x8;
	s4 =	rddreg [dreg:$0x1]  }
0xd: {  	_ =	strace $0x8000004A;
	s5 =	simm.s32 $0x1;
	s6 =	smul.u32 $0xE, s6  }
0xe: {  	s9 =	sadd.s32 s30, s8;
	s7 =	sadd.s32 $0x2AF400, s8;
	[sflag:s5] =	ssyncpa.u1 $0x0  }
0xf: {  	s8 =	sadd.s32 $0x127400, s9;
	[sflag:s31] =	ssyncpa.u1 $0x0;
	s9 =	sor.u32 $0x1, s6  }
.LBB1_7:
0x10: {  	s21 =	sadd.s32 $0x1, s13  }
0x11: {  	s17 =	sadd.s32 $0x8, s14;
	s22 =	smov.u32 s14;
	p1 =	sgt.s32 s21, $0xD  }
0x12: {  	s22 =	smov.u32 @p1 s17  }
0x13: {  	s23 =	smov.u32 s15;
	s17 =	sadd.s32 $0x2, s15;
	p2 =	sgt.s32 s22, $0xD  }
0x14: {  	s23 =	smov.u32 @p2 s17  }
0x15: {  	s21 =	simm.s32 @p1 $0x0;
	p1 =	sgt.s32 s23, $0x1  }
0x16: {  	p0 =	slt.u32 s16, $0x2;
	s23 =	smov.u32 @p1 s1;
	p1 =	sne.s32 s16, s9  }
.Ltmp1:
0x17: {  	s19 =	smov.u32 s14;
	s18 =	simm.s32 @!p0 $0x2;
	(pc) =	sbr.rel @!p1 .LBB1_8-.Ltmp1, $4  }
0x18: {  	s20 =	smov.u32 s15;
	s12 =	sadd.s32 $0x4000, s12;
	_ =	swait.ge @!p0 [sflag:s18], $0x4000  }
0x19: {  	[sflag:s18] =	ssyncset.done @!p0 $0x0;
	s22 =	smov.u32 @p2 s3;
	s17 =	smov.u32 s13  }
0x1a: {  	[sflag:s18] =	ssyncadd.s32 @!p0 $0xFFFFC000;
	s18 =	smov.u32 s2;
	s13 =	smov.u32 s21  }
0x1b: {  	s14 =	smov.u32 s22;
	s16 =	sadd.s32 $0x1, s16;
	s15 =	smov.u32 s23  }
.LBB1_1:
0x1c: {  	p0 =	sge.u32 s16, s6  }
0x1d: {  	s21 =	smul.u32 @!p0 $0xC4000, s15  }
0x1e: {  	s22 =	smul.u32 @!p0 $0xE000, s14  }
0x1f: {  	s31 =	sadd.s32 $0xFFFFFFFF, s16;
	s23 =	sxor.u32 @!p0 $0xFFFFFFFF, s16;
	s21 =	sadd.s32 @!p0 s21, s8  }
0x20: {  	s24 =	sshll.u32 @!p0 s13, $0xC;
	s23 =	sshll.u32 @!p0 s23, $0xE;
	s21 =	sadd.s32 @!p0 s22, s21  }
0x21: {  	s22 =	sand.u32 @!p0 $0x4000, s23;
	s23 =	simm.s32 @!p0 $0x0;
	s21 =	sadd.s32 @!p0 s24, s21  }
0x22: {  	[tilespmem:s22], [sflag:$0x1] =	stream.linear.gather @!p0 [hbm4b:s21+s23], $0x4000, $0x38;
	[tilespmem:$0x10000] =	vst v63  }
0x23: {  	p0 =	sge.u32 s31, s6  }
.Ltmp2:
0x24: {  	_ = 	snop;
	(pc) =	sbr.rel @p0 .LBB1_7-.Ltmp2, $1  }
0x25: {  	_ =	sdelay $0x3  }
0x26: {  	s21 =	sand.u32 $0x4000, s12  }
0x27: {  	_ =	swait.ge [sflag:s5], $0x4000;
	s24 =	sshll.u32 s16, $0xE;
	s22 =	sor.u32 $0x8040, s21  }
0x28: {  	s23 =	sor.u32 $0x40, s21;
	[sflag:s5] =	ssyncset.done $0x0;
	s31 =	sand.u32 $0x4000, s24  }
0x29: {  	s24 =	simm.s32 $0x0;
	[sflag:s5] =	ssyncadd.s32 $0xFFFFC000;
	s21 =	sor.u32 $0x8000, s31  }
.LBB1_3:
0x2a: {  	v1 =	vmov s23;
	_ =	sdelay $0x3  }
0x2b: {  	s25 =	simm.s32 $0x0  }
0x2c: {  	v7 =	vld.idx.msk [tilespmem:v1+s25+$0x30 ss:$0x1], $0xffff  }
0x2d: {  	v0 =	vmov s22;
	v8 =	vld.idx.msk [tilespmem:v1+s25+$0xFFFFFFC0 ss:$0x1], $0xffff  }
0x2e: {  	v6 =	vld.idx.msk [tilespmem:v1+s25+$0xFFFFFFD0 ss:$0x1], $0xffff  }
0x2f: {  	v5 =	vld.idx.msk [tilespmem:v1+s25+$0xFFFFFFE0 ss:$0x1], $0xffff  }
0x30: {  	v4 =	vld.idx.msk [tilespmem:v1+s25+$0xFFFFFFF0 ss:$0x1], $0xffff  }
0x31: {  	v2 =	vld.idx.msk [tilespmem:v1+s25+$0x0 ss:$0x1], $0xffff  }
0x32: {  	v3 =	vld.idx.msk [tilespmem:v1+s25+$0x10 ss:$0x1], $0xffff;
	[tilespmem:v0+s25+$0x30 ss:$0x1] =	vst.idx.msk $0xffff, v7  }
0x33: {  	s26 =	simm.s32 $0x80;
	s27 =	simm.s32 $0x400;
	[tilespmem:v0+s25+$0xFFFFFFC0 ss:$0x1] =	vst.idx.msk $0xffff, v8;
	v7 =	vld.idx.msk [tilespmem:v1+s25+$0x20 ss:$0x1], $0xffff  }
.LBB1_4:
0x34: {  	p0 =	sne.s32 s27, $0x1E00;
	v8 =	vld.idx.msk [tilespmem:v1+s26+$0x30 ss:$0x1], $0xffff;
	[tilespmem:v0+s25+$0xFFFFFFD0 ss:$0x1] =	vst.idx.msk $0xffff, v6  }
0x35: {  	v9 =	vld.idx.msk [tilespmem:v1+s26+$0xFFFFFFC0 ss:$0x1], $0xffff;
	[tilespmem:v0+s25+$0xFFFFFFE0 ss:$0x1] =	vst.idx.msk $0xffff, v5  }
0x36: {  	v6 =	vld.idx.msk [tilespmem:v1+s26+$0xFFFFFFD0 ss:$0x1], $0xffff;
	[tilespmem:v0+s25+$0xFFFFFFF0 ss:$0x1] =	vst.idx.msk $0xffff, v4  }
.Ltmp3:
0x37: {  	v5 =	vld.idx.msk [tilespmem:v1+s26+$0xFFFFFFE0 ss:$0x1], $0xffff;
	[tilespmem:v0+s25+$0x0 ss:$0x1] =	vst.idx.msk $0xffff, v2;
	(pc) =	sbr.rel @p0 .LBB1_4-.Ltmp3, $4  }
0x38: {  	v4 =	vld.idx.msk [tilespmem:v1+s26+$0xFFFFFFF0 ss:$0x1], $0xffff;
	[tilespmem:v0+s25+$0x10 ss:$0x1] =	vst.idx.msk $0xffff, v3  }
0x39: {  	v2 =	vld.idx.msk [tilespmem:v1+s26+$0x0 ss:$0x1], $0xffff;
	[tilespmem:v0+s25+$0x20 ss:$0x1] =	vst.idx.msk $0xffff, v7;
	s25 =	smov.u32 s26  }
0x3a: {  	v3 =	vld.idx.msk [tilespmem:v1+s25+$0x10 ss:$0x1], $0xffff;
	[tilespmem:v0+s25+$0x30 ss:$0x1] =	vst.idx.msk $0xffff, v8  }
0x3b: {  	s26 =	sshra.s32 s27, $0x2;
	s27 =	sadd.s32 $0x200, s27;
	[tilespmem:v0+s25+$0xFFFFFFC0 ss:$0x1] =	vst.idx.msk $0xffff, v9;
	v7 =	vld.idx.msk [tilespmem:v1+s25+$0x20 ss:$0x1], $0xffff  }
0x3c: {  	_ =	sdelay $0x3  }
0x3d: {  	[tilespmem:v0+s25+$0xFFFFFFD0 ss:$0x1] =	vst.idx.msk $0xffff, v6  }
0x3e: {  	v56 =	vld.idx.msk [tilespmem:v1+s26+$0x30 ss:$0x1], $0xffff;
	[tilespmem:v0+s25+$0xFFFFFFE0 ss:$0x1] =	vst.idx.msk $0xffff, v5  }
0x3f: {  	v57 =	vld.idx.msk [tilespmem:v1+s26+$0xFFFFFFC0 ss:$0x1], $0xffff;
	[tilespmem:v0+s25+$0xFFFFFFF0 ss:$0x1] =	vst.idx.msk $0xffff, v4  }
0x40: {  	v58 =	vld.idx.msk [tilespmem:v1+s26+$0xFFFFFFD0 ss:$0x1], $0xffff;
	[tilespmem:v0+s25+$0x0 ss:$0x1] =	vst.idx.msk $0xffff, v2  }
0x41: {  	v59 =	vld.idx.msk [tilespmem:v1+s26+$0xFFFFFFE0 ss:$0x1], $0xffff;
	[tilespmem:v0+s25+$0x10 ss:$0x1] =	vst.idx.msk $0xffff, v3  }
0x42: {  	v60 =	vld.idx.msk [tilespmem:v1+s26+$0xFFFFFFF0 ss:$0x1], $0xffff;
	[tilespmem:v0+s25+$0x20 ss:$0x1] =	vst.idx.msk $0xffff, v7  }
0x43: {  	v61 =	vld.idx.msk [tilespmem:v1+s26+$0x0 ss:$0x1], $0xffff;
	[tilespmem:v0+s26+$0x30 ss:$0x1] =	vst.idx.msk $0xffff, v56  }
0x44: {  	v62 =	vld.idx.msk [tilespmem:v1+s26+$0x10 ss:$0x1], $0xffff;
	s24 =	sadd.s32 $0x1, s24;
	[tilespmem:v0+s26+$0xFFFFFFC0 ss:$0x1] =	vst.idx.msk $0xffff, v57  }
0x45: {  	v63 =	vld.idx.msk [tilespmem:v1+s26+$0x20 ss:$0x1], $0xffff;
	p0 =	sne.s32 s24, $0x8;
	[tilespmem:v0+s26+$0xFFFFFFD0 ss:$0x1] =	vst.idx.msk $0xffff, v58  }
.Ltmp4:
0x46: {  	[tilespmem:v0+s26+$0xFFFFFFE0 ss:$0x1] =	vst.idx.msk $0xffff, v59;
	(pc) =	sbr.rel @p0 .LBB1_3-.Ltmp4, $4  }
0x47: {  	[tilespmem:v0+s26+$0xFFFFFFF0 ss:$0x1] =	vst.idx.msk $0xffff, v60  }
0x48: {  	[tilespmem:v0+s26+$0x0 ss:$0x1] =	vst.idx.msk $0xffff, v61  }
0x49: {  	[tilespmem:v0+s26+$0x10 ss:$0x1] =	vst.idx.msk $0xffff, v62  }
0x4a: {  	s22 =	sadd.s32 $0x800, s22;
	s23 =	sadd.s32 $0x800, s23;
	[tilespmem:v0+s26+$0x20 ss:$0x1] =	vst.idx.msk $0xffff, v63  }
0x4b: {  	s20 =	smul.u32 $0xC4000, s20  }
0x4c: {  	s19 =	smul.u32 $0xE000, s19  }
.Ltmp5:
0x4d: {  	s20 =	sadd.s32 s7, s20;
	(pc) =	sbr.rel .LBB1_7-.Ltmp5, $4  }
0x4e: {  	s18 =	smul.u32 $0xE00, s18;
	s17 =	sshll.u32 s17, $0x8;
	s19 =	sadd.s32 s19, s20  }
0x4f: {  	s17 =	sadd.s32 s17, s19  }
0x50: {  	s17 =	sadd.s32 s18, s17  }
0x51: {  	[hbm4b:s17+s10] =	stream.strided.scatter [tilespmem:s21], [sflag:$0x2], $0x4000, s11, s10, $0x38;
	[tilespmem:$0x10000] =	vst v63  }
.LBB1_8:
0x52: {  	_ =	sfence.sel $0x180000  }
0x53: {  	s1 =	simm.s32 $0x1;
	[bflag:$0x0] =	sbarrier.arrive $0xFFFF  }
0x54: {  	s31 =	simm.s32 $0x2;
	[sflag:s1] =	ssyncpa.u1 $0x1  }
0x55: {  	[sflag:s31] =	ssyncpa.u1 $0x1  }
0x56: {  	p0 =	sne.s32 s0, $0x0;
	_ =	strace $0x9000004A  }
0x57: {  	s0 =	sadd.s32 @!p0 $0x100000, s4;
	[bflag:$0x2] =	sbarrier.arrive $0xFFFF  }
0x58: {  	[sflag:s0] =	ssyncadd.tile.s32 @!p0 $0x1;
	_ =	shalt  }
.Lfunc_end1:
_tile_overlayer_lowered:
.L_overlay_start_2:
0x59: {  	(tag) =	ssettag $0x2  }
0x5a: {  	s0 =	rddreg [dreg:$0x0];
	s2 =	stileid.u32  }
0x5b: {  	s1 =	rddreg [dreg:$0x1];
	p0 =	sne.s32 s2, $0x0  }
0x5c: {  	s3 =	rddreg [dreg:$0x2];
	[bflag:$0x3] =	sbarrier.arrive $0xFFFF;
	s2 =	simm.s32 @!p0 $0x1C01  }
0x5d: {  	[timem:s3], [sflag:s2] =	dma.local @!p0 [hbm:s0], s1  }
0x5e: {  	s0 =	simm.s32 @!p0 $0x1  }
0x5f: {  	_ =	swait.ge @!p0 [sflag:s0], s1  }
0x60: {  	s1 =	ssub.s32 @!p0 $0x0, s1;
	[sflag:s0] =	ssyncset.done @!p0 $0x0  }
0x61: {  	[sflag:s0] =	ssyncadd.s32 @!p0 s1  }
0x62: {  	[bflag:$0x3] =	sbarrier.arrive $0xFFFF  }
0x63: {  	_ =	shalt  }

// kernel: sparse-core-data-format-call.2.cloned.1.call-start
scs
called_computation.2_lowered:
.L_overlay_start_0:
0x0: {  	s1 =	sld [smem:$0x3FD9]  }
0x1: {  	s2 =	sld [smem:$0x3FFE];
	_ =	sdelay $0x1  }
0x2: {  	s3 =	srdreg.scid  }
0x3: {  	s0 =	sand.u32 $0x1, s3  }
0x4: {  	s17 =	sshll.u32 s0, $0xA;
	s1 =	sadd.s32 s2, s1  }
0x5: {  	s1 =	sadd.s32 s1, s17  }
0x6: {  	[smem:$0x3FC3] =	sst s1  }
0x7: {  	_ = 	snop  }
0x8: {  	(tm) =	ssettm $0x1  }
0x9: {  	s18 =	sld [smem:$0x3FFB];
	_ =	sdelay $0x3  }
0xa: {  	_ =	strace s18  }
0xb: {  	s1 =	sld [smem:$0x3FFC];
	_ =	sdelay $0x3  }
0xc: {  	_ =	strace s1  }
0xd: {  	s1 =	sld [smem:$0x3FFD];
	_ =	sdelay $0x3  }
0xe: {  	_ =	strace s1  }
0xf: {  	_ =	strace $0x8FFFFFFF  }
0x10: {  	s19 =	sld [smem:$0x3FDB];
	_ =	sdelay $0x1  }
0x11: {  	s20 =	simm.s32 $_scs_section_size  }
0x12: {  	s4 =	simm.s32 $_size__tile_overlayer_lowered;
	s5 =	simm.s32 $_tile_overlayer_lowered  }
0x13: {  	s23 =	simm.s32 $0x1BFF;
	s22 =	sshll.u32 s5, $0x1;
	s1 =	sadd.s32 s20, s19  }
0x14: {  	s6 =	simm.s32 $0x0;
	s21 =	sshll.u32 s4, $0x1;
	s4 =	sadd.s32 s22, s1  }
0x15: {  	[timem:s6], [sflag:s23] =	dma.local [hbm:s4], s21  }
0x16: {  	_ =	swait.ge [sflag:s23], s21  }
0x17: {  	s2 =	ssub.s32 $0x0, s21;
	[sflag:s23] =	ssyncset.done $0x0  }
0x18: {  	[sflag:s23] =	ssyncadd.s32 s2;
	_ =	sdelay $0x1  }
0x19: {  	s24 =	simm.s32 $0x1B8B  }
0x1a: {  	_ =	swait.ge [sflag:s24], $0x1  }
0x1b: {  	[sflag:s24] =	ssyncset.done $0x0  }
0x1c: {  	s26 =	simm.s32 $0x1B8E;
	s25 =	sld [smem:$0x3FFE];
	[sflag:s24] =	ssyncadd.s32 $0xFFFFFFFF  }
0x1d: {  	s27 =	simm.s32 $execute0_lowered;
	[smem:$0x3FD2] =	sst s26  }
0x1e: {  	s4 =	sshll.u32 s27, $0x1;
	_ =	strace $0x80000046;
	[dreg:$0x1] =	wrdreg $0xFFFFFFFF  }
0x1f: {  	s28 =	simm.s32 $_size_execute0_lowered;
	s1 =	sadd.s32 s1, s4;
	[dreg:$0x0] =	wrdreg $0x0  }
0x20: {  	s4 =	sshll.u32 s28, $0x1;
	[dreg:$0x2] =	wrdreg s1  }
0x21: {  	[dreg:$0x3] =	wrdreg s4  }
0x22: {  	[dreg:$0x4] =	wrdreg $0xC0  }
0x23: {  	_ =	task [dreg:s6], $0x5FFFF  }
0x24: {  	[dreg:$0x1] =	wrdreg $0xFFFFFFFF  }
0x25: {  	[dreg:$0x0] =	wrdreg $0x60  }
0x26: {  	[dreg:$0x2] =	wrdreg s25  }
0x27: {  	[dreg:$0x3] =	wrdreg $0x9  }
0x28: {  	_ =	task.clear_ibuf [dreg:s6], $0x4FFFF;
	_ =	strace $0x90000046  }
0x29: {  	s29 =	simm.s32 $0x9;
	_ =	strace $0x80000048  }
0x2a: {  	_ =	swait.ge [sflag:s29], $0x1  }
0x2b: {  	[sflag:s29] =	ssyncadd.s32 $0xFFFFFFFF  }
0x2c: {  	_ =	strace $0x90000048  }
0x2d: {  	_ =	sfence  }
0x2e: {  	s30 =	sld [smem:$0x0];
	_ =	sdelay $0x2  }
0x2f: {  	s31 =	sshll.u32 s3, $0xD;
	s3 =	sshrl.u32 s3, $0x2  }
0x30: {  	s2 =	sand.u32 $0x4000, s31;
	s1 =	sadd.s32 s3, s30  }
0x31: {  	s0 =	sor.u32 s2, s0;
	s1 =	sshll.u32 s1, $0x11  }
0x32: {  	s0 =	sor.u32 s1, s0  }
0x33: {  	s0 =	sadd.s32 $0x8F2B, s0  }
0x34: {  	[sflag:s0] =	ssyncadd.remote.s32 $0x1  }
0x35: {  	_ =	sfence.sel $0xFFFF  }
0x36: {  	[dreg:$0x0] =	wrdreg $0xFFFFFFFF;
	(pc) =	sbr.abs _section_cstart, $3  }
0x37: {  	[dreg:$0x1] =	wrdreg $0xFFFFFFFF  }
0x38: {  	_ =	task.clear_ibuf [dreg:s6], $0x2FFFF;
	_ =	strace $0x9FFFFFFF  }
0x39: {  	(tm) =	ssettm $0x7FFFFFFF  }
tec
execute0_lowered:
.L_overlay_start_1:
0x0: {  	(tag) =	ssettag $0x1  }
0x1: {  	s1 =	srdreg.scid  }
0x2: {  	s0 =	stileid.u32;
	s8 =	rddreg [dreg:$0x0]  }
0x3: {  	s9 =	simm.s32 $0x2;
	s18 =	simm.s32 $0x0;
	s1 =	sshll.u32 s1, $0x4  }
0x4: {  	s10 =	simm.s32 $0x2000;
	s11 =	simm.s32 $0x8000;
	s2 =	sor.u32 s0, s1  }
0x5: {  	s3 =	sshrl.u32 s0, $0x1;
	s1 =	sand.u32 $0x1, s0;
	s4 =	sshrl.u32 s2, $0x1  }
0x6: {  	s2 =	sand.u32 $0x3, s3;
	s29 =	ssub.s32 $0x2, s1;
	s3 =	sand.u32 $0xC, s4  }
0x7: {  	s5 =	sshrl.u32 s29, $0x1;
	s4 =	sand.u32 $0x1, s29;
	s6 =	ssub.s32 $0x10, s3  }
0x8: {  	s30 =	ssub.s32 $0x11, s2;
	s4 =	sadd.s32 s4, s5;
	s7 =	sand.u32 $0xC, s6  }
0x9: {  	s5 =	sshrl.u32 s30, $0x2;
	p0 =	sne.s32 s7, $0x0;
	s7 =	simm.s32 $0x1  }
0xa: {  	s6 =	sshrl.u32 s6, $0x4;
	s4 =	smul.u32 s4, s5;
	s7 =	simm.s32 @!p0 $0x0  }
0xb: {  	s12 =	simm.s32 $0x0;
	s19 =	simm.s32 $0x0;
	s31 =	sadd.s32 s7, s6  }
0xc: {  	s20 =	simm.s32 $0x0;
	s21 =	simm.s32 $0x0;
	s6 =	smul.u32 s31, s4  }
.Ltmp0:
0xd: {  	s13 =	simm.s32 $0x0;
	s17 =	simm.s32 $0x0;
	(pc) =	sbr.rel .LBB1_1-.Ltmp0, $4  }
0xe: {  	s16 =	smov.u32 s1;
	s15 =	smov.u32 s2;
	s5 =	simm.s32 $0x1  }
0xf: {  	s4 =	rddreg [dreg:$0x1];
	_ =	strace $0x80000047;
	s6 =	smul.u32 $0x7, s6  }
0x10: {  	s14 =	smov.u32 s3;
	s7 =	sadd.s32 $0x1400, s8;
	[sflag:s5] =	ssyncpa.u1 $0x0  }
0x11: {  	s8 =	sadd.s32 $0x189400, s8;
	[sflag:s9] =	ssyncpa.u1 $0x0;
	s9 =	sadd.s32 $0x1, s6  }
.LBB1_9:
0x12: {  	s22 =	sadd.s32 $0x2, s13  }
0x13: {  	s18 =	sadd.s32 $0x10, s14;
	s23 =	smov.u32 s14;
	p1 =	sgt.s32 s22, $0xD  }
0x14: {  	s23 =	smov.u32 @p1 s18  }
0x15: {  	s24 =	smov.u32 s15;
	s18 =	sadd.s32 $0x4, s15;
	p2 =	sgt.s32 s23, $0xF  }
0x16: {  	s24 =	smov.u32 @p2 s18  }
0x17: {  	s25 =	smov.u32 s16;
	s18 =	sadd.s32 $0x2, s16;
	p3 =	sgt.s32 s24, $0xD  }
0x18: {  	p0 =	slt.u32 s17, $0x2;
	s25 =	smov.u32 @p3 s18  }
0x19: {  	s19 =	smov.u32 s14;
	s22 =	simm.s32 @p1 $0x0;
	p1 =	sgt.s32 s25, $0x1  }
0x1a: {  	s26 =	simm.s32 @!p0 $0x2;
	s25 =	smov.u32 @p1 s1;
	p1 =	sne.s32 s17, s9  }
.Ltmp1:
0x1b: {  	s20 =	smov.u32 s15;
	_ =	swait.ge @!p0 [sflag:s26], $0x4000;
	(pc) =	sbr.rel @!p1 .LBB1_10-.Ltmp1, $4  }
0x1c: {  	s21 =	smov.u32 s16;
	[sflag:s26] =	ssyncset.done @!p0 $0x0;
	s23 =	smov.u32 @p2 s3  }
0x1d: {  	s12 =	sadd.s32 $0x4000, s12;
	[sflag:s26] =	ssyncadd.s32 @!p0 $0xFFFFC000;
	s14 =	smov.u32 s23  }
0x1e: {  	s24 =	smov.u32 @p3 s2;
	s18 =	smov.u32 s13;
	s13 =	smov.u32 s22  }
0x1f: {  	s15 =	smov.u32 s24;
	s17 =	sadd.s32 $0x1, s17;
	s16 =	smov.u32 s25  }
.LBB1_1:
0x20: {  	p0 =	sge.u32 s17, s6  }
0x21: {  	s22 =	smul.u32 @!p0 $0xC4000, s16  }
0x22: {  	s23 =	smul.u32 @!p0 $0xE000, s15  }
0x23: {  	s24 =	sxor.u32 @!p0 $0xFFFFFFFF, s17;
	s25 =	smul.u32 @!p0 $0xE00, s14;
	s22 =	sadd.s32 @!p0 s7, s22  }
0x24: {  	s31 =	sadd.s32 $0xFFFFFFFF, s17;
	s24 =	sshll.u32 @!p0 s24, $0xE;
	s22 =	sadd.s32 @!p0 s23, s22  }
0x25: {  	s23 =	sand.u32 @!p0 $0x4000, s24;
	s24 =	sshll.u32 @!p0 s13, $0x8;
	s22 =	sadd.s32 @!p0 s25, s22  }
0x26: {  	s25 =	simm.s32 @!p0 $0x7000;
	s22 =	sadd.s32 @!p0 s24, s22;
	s24 =	simm.s32 @!p0 $0x1000  }
0x27: {  	[tilespmem:s23], [sflag:$0x1] =	stream.strided.gather @!p0 [hbm4b:s22+s24], $0x4000, s25, s24, $0x38;
	[tilespmem:$0x10000] =	vst v63  }
0x28: {  	p0 =	sge.u32 s31, s6  }
.Ltmp2:
0x29: {  	_ = 	snop;
	(pc) =	sbr.rel @p0 .LBB1_9-.Ltmp2, $1  }
0x2a: {  	_ =	sdelay $0x3  }
0x2b: {  	s23 =	sand.u32 $0x4000, s12;
	_ =	swait.ge [sflag:s5], $0x4000;
	s22 =	sshll.u32 s17, $0xE  }
0x2c: {  	s25 =	simm.s32 $0x0;
	[sflag:s5] =	ssyncset.done $0x0;
	s22 =	sand.u32 $0x4000, s22  }
0x2d: {  	s24 =	sor.u32 $0x8070, s23;
	[sflag:s5] =	ssyncadd.s32 $0xFFFFC000;
	s22 =	sor.u32 $0x8000, s22  }
.LBB1_3:
0x2e: {  	p1 =	por $0x1, $0x1;
	s26 =	simm.s32 $0x0  }
.LBB1_4:
0x2f: {  	s27 =	sshll.u32 s26, $0xB  }
0x30: {  	s27 =	sand.u32 $0x3FFFF800, s27  }
0x31: {  	s27 =	sadd.s32 s27, s23  }
0x32: {  	v0 =	vmov s27;
	_ =	sdelay $0x2  }
0x33: {  	s31 =	sshll.u32 s26, $0xD  }
0x34: {  	s26 =	simm.s32 $0x0;
	s27 =	sand.u32 $0x3FFFE000, s31  }
0x35: {  	s27 =	sadd.s32 s27, s24;
	v7 =	vld.idx.msk [tilespmem:v0+s26+$0x70 ss:$0x1], $0xffff  }
0x36: {  	v1 =	vmov s27;
	v8 =	vld.idx.msk [tilespmem:v0+s26+$0x0 ss:$0x1], $0xffff  }
0x37: {  	v6 =	vld.idx.msk [tilespmem:v0+s26+$0x10 ss:$0x1], $0xffff  }
0x38: {  	v5 =	vld.idx.msk [tilespmem:v0+s26+$0x20 ss:$0x1], $0xffff  }
0x39: {  	v4 =	vld.idx.msk [tilespmem:v0+s26+$0x30 ss:$0x1], $0xffff  }
0x3a: {  	v2 =	vld.idx.msk [tilespmem:v0+s26+$0x40 ss:$0x1], $0xffff  }
0x3b: {  	v3 =	vld.idx.msk [tilespmem:v0+s26+$0x50 ss:$0x1], $0xffff;
	[tilespmem:v1+s26+$0x0 ss:$0x1] =	vst.idx.msk $0xffff, v7  }
0x3c: {  	p0 =	por p1, p1;
	s28 =	simm.s32 $0x400;
	s27 =	simm.s32 $0x80;
	[tilespmem:v1+s26+$0xFFFFFF90 ss:$0x1] =	vst.idx.msk $0xffff, v8;
	v7 =	vld.idx.msk [tilespmem:v0+s26+$0x60 ss:$0x1], $0xffff  }
.LBB1_5:
0x3d: {  	p1 =	sne.s32 s28, $0x1E00;
	v8 =	vld.idx.msk [tilespmem:v0+s27+$0x70 ss:$0x1], $0xffff;
	[tilespmem:v1+s26+$0xFFFFFFA0 ss:$0x1] =	vst.idx.msk $0xffff, v6  }
0x3e: {  	v9 =	vld.idx.msk [tilespmem:v0+s27+$0x0 ss:$0x1], $0xffff;
	[tilespmem:v1+s26+$0xFFFFFFB0 ss:$0x1] =	vst.idx.msk $0xffff, v5  }
0x3f: {  	v6 =	vld.idx.msk [tilespmem:v0+s27+$0x10 ss:$0x1], $0xffff;
	[tilespmem:v1+s26+$0xFFFFFFC0 ss:$0x1] =	vst.idx.msk $0xffff, v4  }
.Ltmp3:
0x40: {  	v5 =	vld.idx.msk [tilespmem:v0+s27+$0x20 ss:$0x1], $0xffff;
	[tilespmem:v1+s26+$0xFFFFFFD0 ss:$0x1] =	vst.idx.msk $0xffff, v2;
	(pc) =	sbr.rel @p1 .LBB1_5-.Ltmp3, $4  }
0x41: {  	v4 =	vld.idx.msk [tilespmem:v0+s27+$0x30 ss:$0x1], $0xffff;
	[tilespmem:v1+s26+$0xFFFFFFE0 ss:$0x1] =	vst.idx.msk $0xffff, v3  }
0x42: {  	v2 =	vld.idx.msk [tilespmem:v0+s27+$0x40 ss:$0x1], $0xffff;
	[tilespmem:v1+s26+$0xFFFFFFF0 ss:$0x1] =	vst.idx.msk $0xffff, v7;
	s26 =	smov.u32 s27  }
0x43: {  	v3 =	vld.idx.msk [tilespmem:v0+s26+$0x50 ss:$0x1], $0xffff;
	[tilespmem:v1+s26+$0x0 ss:$0x1] =	vst.idx.msk $0xffff, v8  }
0x44: {  	s27 =	sshra.s32 s28, $0x2;
	s28 =	sadd.s32 $0x200, s28;
	[tilespmem:v1+s26+$0xFFFFFF90 ss:$0x1] =	vst.idx.msk $0xffff, v9;
	v7 =	vld.idx.msk [tilespmem:v0+s26+$0x60 ss:$0x1], $0xffff  }
0x45: {  	_ =	sdelay $0x3  }
0x46: {  	[tilespmem:v1+s26+$0xFFFFFFA0 ss:$0x1] =	vst.idx.msk $0xffff, v6  }
0x47: {  	v56 =	vld.idx.msk [tilespmem:v0+s27+$0x70 ss:$0x1], $0xffff;
	[tilespmem:v1+s26+$0xFFFFFFB0 ss:$0x1] =	vst.idx.msk $0xffff, v5  }
0x48: {  	v57 =	vld.idx.msk [tilespmem:v0+s27+$0x0 ss:$0x1], $0xffff;
	[tilespmem:v1+s26+$0xFFFFFFC0 ss:$0x1] =	vst.idx.msk $0xffff, v4  }
0x49: {  	v58 =	vld.idx.msk [tilespmem:v0+s27+$0x10 ss:$0x1], $0xffff;
	[tilespmem:v1+s26+$0xFFFFFFD0 ss:$0x1] =	vst.idx.msk $0xffff, v2  }
0x4a: {  	v59 =	vld.idx.msk [tilespmem:v0+s27+$0x20 ss:$0x1], $0xffff;
	[tilespmem:v1+s26+$0xFFFFFFE0 ss:$0x1] =	vst.idx.msk $0xffff, v3  }
0x4b: {  	v60 =	vld.idx.msk [tilespmem:v0+s27+$0x30 ss:$0x1], $0xffff;
	[tilespmem:v1+s26+$0xFFFFFFF0 ss:$0x1] =	vst.idx.msk $0xffff, v7  }
0x4c: {  	v61 =	vld.idx.msk [tilespmem:v0+s27+$0x40 ss:$0x1], $0xffff;
	[tilespmem:v1+s27+$0x0 ss:$0x1] =	vst.idx.msk $0xffff, v56  }
0x4d: {  	v62 =	vld.idx.msk [tilespmem:v0+s27+$0x50 ss:$0x1], $0xffff;
	[tilespmem:v1+s27+$0xFFFFFF90 ss:$0x1] =	vst.idx.msk $0xffff, v57  }
0x4e: {  	v63 =	vld.idx.msk [tilespmem:v0+s27+$0x60 ss:$0x1], $0xffff;
	[tilespmem:v1+s27+$0xFFFFFFA0 ss:$0x1] =	vst.idx.msk $0xffff, v58  }
.Ltmp4:
0x4f: {  	[tilespmem:v1+s27+$0xFFFFFFB0 ss:$0x1] =	vst.idx.msk $0xffff, v59;
	(pc) =	sbr.rel @p0 .LBB1_4-.Ltmp4, $4  }
0x50: {  	[tilespmem:v1+s27+$0xFFFFFFC0 ss:$0x1] =	vst.idx.msk $0xffff, v60  }
0x51: {  	[tilespmem:v1+s27+$0xFFFFFFD0 ss:$0x1] =	vst.idx.msk $0xffff, v61  }
0x52: {  	[tilespmem:v1+s27+$0xFFFFFFE0 ss:$0x1] =	vst.idx.msk $0xffff, v62  }
0x53: {  	p1 =	por $0x0, $0x0;
	s26 =	simm.s32 $0x1;
	[tilespmem:v1+s27+$0xFFFFFFF0 ss:$0x1] =	vst.idx.msk $0xffff, v63  }
0x54: {  	s25 =	sadd.s32 $0x1, s25  }
0x55: {  	p0 =	sne.s32 s25, $0x4  }
.Ltmp5:
0x56: {  	_ = 	snop;
	(pc) =	sbr.rel @p0 .LBB1_3-.Ltmp5, $2  }
0x57: {  	_ =	sdelay $0x2  }
0x58: {  	s24 =	sadd.s32 $0x800, s24;
	s23 =	sadd.s32 $0x1000, s23  }
0x59: {  	s21 =	smul.u32 $0xC4000, s21  }
0x5a: {  	s20 =	smul.u32 $0xE000, s20  }
.Ltmp6:
0x5b: {  	s21 =	sadd.s32 s8, s21;
	(pc) =	sbr.rel .LBB1_9-.Ltmp6, $4  }
0x5c: {  	s19 =	sshll.u32 s19, $0x8;
	s20 =	sadd.s32 s20, s21  }
0x5d: {  	s18 =	sshll.u32 s18, $0xC;
	s19 =	sadd.s32 s19, s20  }
0x5e: {  	s18 =	sadd.s32 s18, s19  }
0x5f: {  	[hbm4b:s18+s10] =	stream.strided.scatter [tilespmem:s22], [sflag:$0x2], $0x4000, s11, s10, $0x38;
	[tilespmem:$0x10000] =	vst v63  }
.LBB1_10:
0x60: {  	_ =	sfence.sel $0x180000  }
0x61: {  	s1 =	simm.s32 $0x1;
	[bflag:$0x0] =	sbarrier.arrive $0xFFFF  }
0x62: {  	s31 =	simm.s32 $0x2;
	[sflag:s1] =	ssyncpa.u1 $0x1  }
0x63: {  	[sflag:s31] =	ssyncpa.u1 $0x1  }
0x64: {  	p0 =	sne.s32 s0, $0x0;
	_ =	strace $0x90000047  }
0x65: {  	s0 =	sadd.s32 @!p0 $0x100000, s4;
	[bflag:$0x2] =	sbarrier.arrive $0xFFFF  }
0x66: {  	[sflag:s0] =	ssyncadd.tile.s32 @!p0 $0x1;
	_ =	shalt  }
.Lfunc_end1:
_tile_overlayer_lowered:
.L_overlay_start_2:
0x67: {  	(tag) =	ssettag $0x2  }
0x68: {  	s0 =	rddreg [dreg:$0x0];
	s2 =	stileid.u32  }
0x69: {  	s1 =	rddreg [dreg:$0x1];
	p0 =	sne.s32 s2, $0x0  }
0x6a: {  	s3 =	rddreg [dreg:$0x2];
	[bflag:$0x3] =	sbarrier.arrive $0xFFFF;
	s2 =	simm.s32 @!p0 $0x1C01  }
0x6b: {  	[timem:s3], [sflag:s2] =	dma.local @!p0 [hbm:s0], s1  }
0x6c: {  	s0 =	simm.s32 @!p0 $0x1  }
0x6d: {  	_ =	swait.ge @!p0 [sflag:s0], s1  }
0x6e: {  	s1 =	ssub.s32 @!p0 $0x0, s1;
	[sflag:s0] =	ssyncset.done @!p0 $0x0  }
0x6f: {  	[sflag:s0] =	ssyncadd.s32 @!p0 s1  }
0x70: {  	[bflag:$0x3] =	sbarrier.arrive $0xFFFF  }
0x71: {  	_ =	shalt  }

// kernel: sparse-core-data-format-call.cloned.1.call-start
scs
called_computation_lowered:
.L_overlay_start_0:
0x0: {  	s2 =	sld [smem:$0x3FD9]  }
0x1: {  	s3 =	sld [smem:$0x3FFE];
	_ =	sdelay $0x1  }
0x2: {  	s1 =	srdreg.scid  }
0x3: {  	s0 =	sand.u32 $0x1, s1  }
0x4: {  	s18 =	sshll.u32 s0, $0xA;
	s2 =	sadd.s32 s3, s2  }
0x5: {  	s2 =	sadd.s32 s2, s18  }
0x6: {  	[smem:$0x3FC3] =	sst s2  }
0x7: {  	_ = 	snop  }
0x8: {  	s2 =	sld [smem:$0x3FD0];
	(tm) =	ssettm $0x1  }
0x9: {  	s19 =	sld [smem:$0x3FFB];
	_ =	sdelay $0x3  }
0xa: {  	_ =	strace s19  }
0xb: {  	s3 =	sld [smem:$0x3FFC];
	_ =	sdelay $0x3  }
0xc: {  	_ =	strace s3  }
0xd: {  	s3 =	sld [smem:$0x3FFD];
	_ =	sdelay $0x3  }
0xe: {  	_ =	strace s3  }
0xf: {  	_ =	strace $0x8FFFFFFF  }
0x10: {  	s20 =	sld [smem:$0x3FDB];
	_ =	sdelay $0x1  }
0x11: {  	s4 =	simm.s32 $_scs_section_size  }
0x12: {  	s5 =	simm.s32 $_size__tile_overlayer_lowered;
	s6 =	simm.s32 $_tile_overlayer_lowered  }
0x13: {  	s23 =	simm.s32 $0x1BFF;
	s22 =	sshll.u32 s6, $0x1;
	s3 =	sadd.s32 s4, s20  }
0x14: {  	s7 =	simm.s32 $0x0;
	s21 =	sshll.u32 s5, $0x1;
	s5 =	sadd.s32 s22, s3  }
0x15: {  	[timem:s7], [sflag:s23] =	dma.local [hbm:s5], s21  }
0x16: {  	_ =	swait.ge [sflag:s23], s21  }
0x17: {  	s4 =	ssub.s32 $0x0, s21;
	[sflag:s23] =	ssyncset.done $0x0  }
0x18: {  	[sflag:s23] =	ssyncadd.s32 s4;
	_ =	sdelay $0x1  }
0x19: {  	s24 =	simm.s32 $0x1B8B  }
0x1a: {  	_ =	swait.ge [sflag:s24], $0x1  }
0x1b: {  	[sflag:s24] =	ssyncset.done $0x0  }
0x1c: {  	s26 =	simm.s32 $0x1B8E;
	s25 =	sld [smem:$0x3FFE];
	[sflag:s24] =	ssyncadd.s32 $0xFFFFFFFF  }
0x1d: {  	s27 =	simm.s32 $execute0_lowered;
	[smem:$0x3FD2] =	sst s26  }
0x1e: {  	s5 =	sshll.u32 s27, $0x1;
	_ =	strace $0x8000004C;
	[dreg:$0x1] =	wrdreg $0xFFFFFFFF  }
0x1f: {  	s28 =	simm.s32 $_size_execute0_lowered;
	s3 =	sadd.s32 s3, s5;
	[dreg:$0x0] =	wrdreg $0x0  }
0x20: {  	s5 =	sshll.u32 s28, $0x1;
	[dreg:$0x2] =	wrdreg s3  }
0x21: {  	[dreg:$0x3] =	wrdreg s5  }
0x22: {  	[dreg:$0x4] =	wrdreg $0xC0  }
0x23: {  	_ =	task [dreg:s7], $0x5FFFF  }
0x24: {  	[dreg:$0x1] =	wrdreg $0xFFFFFFFF  }
0x25: {  	[dreg:$0x0] =	wrdreg $0x60  }
0x26: {  	[dreg:$0x2] =	wrdreg s25  }
0x27: {  	[dreg:$0x3] =	wrdreg s2  }
0x28: {  	[dreg:$0x4] =	wrdreg $0x9  }
0x29: {  	_ =	task.clear_ibuf [dreg:s7], $0x5FFFF;
	_ =	strace $0x9000004C  }
0x2a: {  	s29 =	simm.s32 $0x9;
	_ =	strace $0x8000004E  }
0x2b: {  	_ =	swait.ge [sflag:s29], $0x1  }
0x2c: {  	[sflag:s29] =	ssyncadd.s32 $0xFFFFFFFF  }
0x2d: {  	_ =	strace $0x9000004E  }
0x2e: {  	_ =	sfence  }
0x2f: {  	s30 =	sld [smem:$0x0];
	_ =	sdelay $0x2  }
0x30: {  	s31 =	sshll.u32 s1, $0xD;
	s1 =	sshrl.u32 s1, $0x2  }
0x31: {  	s3 =	sand.u32 $0x4000, s31;
	s1 =	sadd.s32 s1, s30  }
0x32: {  	s0 =	sor.u32 s3, s0;
	s1 =	sshll.u32 s1, $0x11  }
0x33: {  	s0 =	sor.u32 s1, s0  }
0x34: {  	s0 =	sadd.s32 $0x8F2B, s0  }
0x35: {  	[sflag:s0] =	ssyncadd.remote.s32 $0x1  }
0x36: {  	_ =	sfence.sel $0xFFFF  }
0x37: {  	[dreg:$0x0] =	wrdreg $0xFFFFFFFF;
	(pc) =	sbr.abs _section_cstart, $3  }
0x38: {  	[dreg:$0x1] =	wrdreg $0xFFFFFFFF  }
0x39: {  	_ =	task.clear_ibuf [dreg:s7], $0x2FFFF;
	_ =	strace $0x9FFFFFFF  }
0x3a: {  	(tm) =	ssettm $0x7FFFFFFF  }
0x3b: {  	_ =	shalt  }
tec
execute0_lowered:
.L_overlay_start_1:
0x0: {  	(tag) =	ssettag $0x1  }
0x1: {  	s0 =	rddreg [dreg:$0x0];
	s4 =	stileid.u32;
	_ =	strace $0x8000004D  }
0x2: {  	s2 =	srdreg.scid;
	s30 =	simm.s32 $0x1;
	s31 =	simm.s32 $0x2  }
0x3: {  	s18 =	simm.s32 $0x0;
	s19 =	simm.s32 $0x0;
	s20 =	simm.s32 $0x0  }
0x4: {  	s10 =	simm.s32 $0x0;
	s11 =	simm.s32 $0x0;
	s17 =	simm.s32 $0x0  }
0x5: {  	s12 =	simm.s32 $0x0;
	s6 =	sand.u32 $0x1, s4;
	s29 =	sshll.u32 s2, $0x4  }
0x6: {  	s7 =	sadd.s32 $0x2AF400, s0;
	s1 =	ssub.s32 $0x2, s6;
	s0 =	sand.u32 $0x10, s29  }
0x7: {  	[dreg:$0x3] =	wrdreg s6;
	s3 =	sshrl.u32 s1, $0x1;
	s1 =	sand.u32 $0x1, s1  }
.Ltmp0:
0x8: {  	s0 =	sor.u32 s4, s0;
	s1 =	sadd.s32 s1, s3;
	(pc) =	sbr.rel .LBB1_1-.Ltmp0, $4  }
0x9: {  	[dreg:$0x4] =	wrdreg s7;
	s9 =	sshrl.u32 s0, $0x1;
	s8 =	smul.u32 $0x1C, s1  }
0xa: {  	s16 =	simm.s32 $0x0;
	[sflag:s30] =	ssyncpa.u1 $0x0;
	[dreg:$0x6] =	wrdreg s9  }
0xb: {  	[sflag:s31] =	ssyncpa.u1 $0x0;
	s13 =	sor.u32 $0x1, s8;
	[dreg:$0x5] =	wrdreg s8  }
0xc: {  	s15 =	smov.u32 s6;
	s14 =	smov.u32 s9;
	[dreg:$0x7] =	wrdreg s13  }
.LBB1_13:
0xd: {  	s4 =	rddreg [dreg:$0xd]  }
0xe: {  	s23 =	rddreg [dreg:$0xc]  }
0xf: {  	s17 =	rddreg [dreg:$0x8]  }
0x10: {  	s26 =	rddreg [dreg:$0x1]  }
0x11: {  	s29 =	rddreg [dreg:$0xe]  }
0x12: {  	s0 =	sshll.u32 s11, $0x8;
	s1 =	sshll.u32 s10, $0x3;
	s6 =	rddreg [dreg:$0x3]  }
0x13: {  	p0 =	sgt.s32 s10, $0x80;
	s2 =	smov.u32 s10;
	s7 =	rddreg [dreg:$0x4]  }
0x14: {  	s3 =	sshll.u32 s11, $0x7;
	s24 =	sand.u32 $0x78, s10;
	s8 =	rddreg [dreg:$0x5]  }
0x15: {  	s27 =	sand.u32 $0x7, s10;
	s31 =	simm.s32 $0xE000;
	s9 =	rddreg [dreg:$0x6]  }
0x16: {  	s0 =	sand.u32 $0xFFFFF800, s0;
	s1 =	sand.u32 $0xFFFFFC00, s1;
	s2 =	simm.s32 @!p0 $0x80  }
0x17: {  	s20 =	sand.u32 $0x300, s3;
	s0 =	sadd.s32 s0, s1;
	s2 =	sadd.s32 s4, s2  }
0x18: {  	s5 =	smul.u32 $0xA8000, s17;
	s0 =	sor.u32 s20, s0;
	s21 =	sadd.s32 $0xFFFFFF80, s2  }
0x19: {  	s1 =	ssub.s32 $0x100, s2;
	s0 =	sshrl.u32 s0, $0x8;
	p0 =	sgt.s32 s21, $0x7F  }
0x1a: {  	s13 =	rddreg [dreg:$0x7];
	s22 =	smulhi.u32 $0x124924A, s0;
	s1 =	simm.s32 @p0 $0x0  }
0x1b: {  	s18 =	rddreg [dreg:$0x9];
	s3 =	sand.u32 $0x80, s3;
	s1 =	smul.u32 s1, s23  }
0x1c: {  	s19 =	rddreg [dreg:$0xa];
	s3 =	sor.u32 s24, s3;
	s2 =	smul.u32 $0xE0, s22  }
0x1d: {  	s28 =	sshll.u32 s27, $0x12;
	s4 =	sor.u32 $0x8000, s29;
	s25 =	sshrl.u32 s3, $0x3  }
0x1e: {  	s3 =	sadd.s32 s26, s5;
	s1 =	smul.u32 $0x60, s1;
	s0 =	ssub.s32 s0, s2  }
0x1f: {  	s30 =	sor.u32 $0x80, s28;
	s2 =	sadd.s32 s25, s3;
	s0 =	sshll.u32 s0, $0x5  }
0x20: {  	s20 =	rddreg [dreg:$0xb];
	s1 =	sand.u32 $0x3FFFFFE0, s1;
	s0 =	sadd.s32 s0, s2  }
0x21: {  	[hbm4b:s0+s30] =	stream.strided.scatter [tilespmem:s4], [sflag:$0x2], s1, s31, s30, $0x20;
	[tilespmem:$0x10100] =	vst v63  }
.LBB1_14:
0x22: {  	p0 =	slt.u32 s16, $0x2  }
0x23: {  	s0 =	smov.u32 s20;
	s2 =	smov.u32 s19;
	p1 =	sgt.s32 @!p0 s20, $0x1  }
0x24: {  	s1 =	sshra.s32 @!p0 s20, $0x1F;
	s3 =	sshra.s32 @!p0 s19, $0x1F;
	p1 =	por !p1, p0  }
0x25: {  	s1 =	sand.u32 @!p0 s1, s20;
	s0 =	simm.s32 @p1 $0x1;
	p1 =	sgt.s32 @!p0 s19, $0xDF  }
0x26: {  	p2 =	sgt.s32 @!p0 s18, $0x80;
	s1 =	sxor.u32 @!p0 $0xFFFFFFFF, s1;
	p1 =	por !p1, p0  }
0x27: {  	s0 =	sadd.s32 @!p0 s1, s0;
	s1 =	sand.u32 @!p0 s3, s19;
	s2 =	simm.s32 @p1 $0xDF  }
0x28: {  	p2 =	por !p2, p0;
	s3 =	smov.u32 s18;
	s1 =	ssub.s32 @!p0 s2, s1  }
0x29: {  	p1 =	sgt.s32 @!p0 s0, $0x0;
	s0 =	ssub.s32 @!p0 $0x1, s0;
	s2 =	sadd.s32 @!p0 $0xFFFFFF21, s1  }
0x2a: {  	s3 =	simm.s32 @p2 $0x80;
	p2 =	sgt.s32 @!p0 s2, $0x0;
	s2 =	sshra.s32 @!p0 s18, $0x1F  }
0x2b: {  	s0 =	smul.u32 @!p0 $0x60, s0;
	p1 =	por !p1, p0;
	s2 =	sand.u32 @!p0 s2, s18  }
0x2c: {  	s1 =	ssub.s32 @!p0 $0xE0, s1;
	p2 =	por !p2, p0;
	s2 =	ssub.s32 @!p0 s3, s2  }
0x2d: {  	s0 =	simm.s32 @!p1 $0x0;
	s1 =	simm.s32 @!p2 $0x0;
	s3 =	sadd.s32 @!p0 $0xFFFFFF80, s2  }
0x2e: {  	s4 =	smov.u32 s14;
	s0 =	smul.u32 @!p0 s0, s1;
	p1 =	sgt.s32 @!p0 s3, $0x7F  }
0x2f: {  	s1 =	ssub.s32 @!p0 $0x100, s2;
	s2 =	sadd.s32 $0x80, s12;
	p1 =	por !p1, p0  }
0x30: {  	s3 =	sadd.s32 $0x10, s14;
	s1 =	simm.s32 @!p1 $0x0;
	p1 =	sgt.s32 s2, $0xDF  }
0x31: {  	s0 =	smul.u32 @!p0 s1, s0;
	s4 =	smov.u32 @p1 s3  }
0x32: {  	s1 =	sadd.s32 $0x2, s15;
	s3 =	smov.u32 s15;
	p2 =	sgt.s32 s4, $0xDF  }
0x33: {  	s20 =	smov.u32 s17;
	s3 =	smov.u32 @p2 s1  }
0x34: {  	s17 =	smov.u32 s15;
	s2 =	simm.s32 @p1 $0x0;
	p1 =	sgt.s32 s3, $0x1  }
0x35: {  	s19 =	smov.u32 s11;
	s3 =	smov.u32 @p1 s6;
	p1 =	sne.s32 s16, s13  }
.Ltmp1:
0x36: {  	s11 =	smov.u32 s14;
	s18 =	smov.u32 s10;
	(pc) =	sbr.rel @!p1 .LBB1_15-.Ltmp1, $4  }
0x37: {  	s10 =	smov.u32 s12;
	s0 =	sand.u32 @!p0 $0x3FFFFFE0, s0;
	s1 =	simm.s32 @!p0 $0x2  }
0x38: {  	s12 =	smov.u32 s2;
	s4 =	smov.u32 @p2 s9;
	_ =	swait.ge @!p0 [sflag:s1], s0  }
0x39: {  	s0 =	ssub.s32 @!p0 $0x0, s0;
	s14 =	smov.u32 s4;
	[sflag:s1] =	ssyncset.done @!p0 $0x0  }
0x3a: {  	s16 =	sadd.s32 $0x1, s16;
	[sflag:s1] =	ssyncadd.s32 @!p0 s0;
	s15 =	smov.u32 s3  }
.LBB1_1:
0x3b: {  	p0 =	sge.u32 s16, s8;
	s2 =	smov.u32 s15;
	s4 =	smov.u32 s14  }
0x3c: {  	s31 =	sadd.s32 $0xFFFFFFFF, s16;
	s0 =	sand.u32 @!p0 $0x1FFFFFF, s12;
	p1 =	sgt.s32 @!p0 s15, $0x1  }
0x3d: {  	s3 =	sshra.s32 @!p0 s15, $0x1F;
	s5 =	sshra.s32 @!p0 s14, $0x1F;
	s1 =	smulhi.u32 @!p0 $0x2492493, s0  }
0x3e: {  	p1 =	por !p1, p0;
	s3 =	sand.u32 @!p0 s3, s15;
	s5 =	sand.u32 @!p0 s5, s14  }
0x3f: {  	s2 =	simm.s32 @p1 $0x1;
	p1 =	sgt.s32 @!p0 s14, $0xDF;
	s3 =	sxor.u32 @!p0 $0xFFFFFFFF, s3  }
0x40: {  	s1 =	sshrl.u32 @!p0 s1, $0x1;
	p1 =	por !p1, p0;
	s2 =	sadd.s32 @!p0 s3, s2  }
0x41: {  	s1 =	smul.u32 @!p0 $0xE0, s1;
	s4 =	simm.s32 @p1 $0xDF;
	p1 =	sgt.s32 @!p0 s12, $0x60  }
0x42: {  	p2 =	sgt.s32 @!p0 s2, $0x0;
	s2 =	sshll.u32 @!p0 s2, $0x7;
	s3 =	ssub.s32 @!p0 s4, s5  }
0x43: {  	p1 =	por !p1, p0;
	s4 =	smov.u32 s12;
	s5 =	sadd.s32 @!p0 $0xFFFFFF21, s3  }
0x44: {  	s4 =	simm.s32 @p1 $0x60;
	p1 =	sgt.s32 @!p0 s5, $0x0;
	s5 =	sshra.s32 @!p0 s12, $0x1F  }
0x45: {  	s2 =	ssub.s32 @!p0 $0x80, s2;
	p2 =	por !p2, p0;
	s5 =	sand.u32 @!p0 s5, s12  }
0x46: {  	s3 =	ssub.s32 @!p0 $0xE0, s3;
	p1 =	por !p1, p0;
	s4 =	ssub.s32 @!p0 s4, s5  }
0x47: {  	s2 =	simm.s32 @!p2 $0x0;
	s3 =	simm.s32 @!p1 $0x0;
	s5 =	sadd.s32 @!p0 $0xFFFFFFA0, s4  }
0x48: {  	s0 =	ssub.s32 @!p0 s0, s1;
	s2 =	smul.u32 @!p0 s3, s2;
	p1 =	sgt.s32 @!p0 s5, $0x7F  }
0x49: {  	s3 =	ssub.s32 @!p0 $0xE0, s4;
	s4 =	smul.u32 @!p0 $0xC4000, s15;
	p1 =	por !p1, p0  }
0x4a: {  	s1 =	smul.u32 @!p0 $0xE00, s14;
	s5 =	sxor.u32 @!p0 $0xFFFFFFFF, s16;
	s3 =	simm.s32 @!p1 $0x0  }
0x4b: {  	s5 =	sshll.u32 @!p0 s5, $0xE;
	s2 =	smul.u32 @!p0 s3, s2;
	s3 =	sadd.s32 @!p0 s7, s4  }
0x4c: {  	s0 =	sshll.u32 @!p0 s0, $0x4;
	s4 =	sand.u32 @!p0 $0x4000, s5;
	s1 =	sadd.s32 @!p0 s1, s3  }
0x4d: {  	s2 =	sand.u32 @!p0 $0x3FFFFF80, s2;
	s0 =	sadd.s32 @!p0 s0, s1;
	s1 =	simm.s32 @!p0 $0x0  }
0x4e: {  	[tilespmem:s4], [sflag:$0x1] =	stream.linear.gather @!p0 [hbm4b:s0+s1], s2, $0x38;
	[tilespmem:$0x10100] =	vst v63  }
0x4f: {  	p0 =	sge.u32 s31, s8  }
.Ltmp2:
0x50: {  	_ = 	snop;
	(pc) =	sbr.rel @p0 .LBB1_14-.Ltmp2, $1  }
0x51: {  	_ =	sdelay $0x3  }
0x52: {  	p0 =	sgt.s32 s17, $0x1  }
0x53: {  	s0 =	sshra.s32 s17, $0x1F;
	p1 =	sgt.s32 s11, $0xDF;
	s1 =	smov.u32 s11  }
0x54: {  	s2 =	sshra.s32 s11, $0x1F;
	s3 =	smov.u32 s17;
	s24 =	ssub.s32 $0x0, s10  }
0x55: {  	s25 =	sshra.s32 s10, $0x1F;
	p2 =	sgt.s32 s10, $0x60;
	s4 =	smov.u32 s10  }
0x56: {  	s0 =	sand.u32 s0, s17;
	s1 =	simm.s32 @!p1 $0xDF;
	s2 =	sand.u32 s2, s11  }
0x57: {  	s3 =	simm.s32 @!p0 $0x1;
	s0 =	sxor.u32 $0xFFFFFFFF, s0;
	s1 =	ssub.s32 s1, s2  }
0x58: {  	s4 =	simm.s32 @!p2 $0x60;
	s0 =	sadd.s32 s0, s3;
	s2 =	sadd.s32 $0xFFFFFF21, s1  }
0x59: {  	s1 =	ssub.s32 $0xE0, s1;
	p0 =	sgt.s32 s0, $0x0;
	s0 =	ssub.s32 $0x1, s0  }
0x5a: {  	p1 =	sgt.s32 s2, $0x0;
	s2 =	sand.u32 s24, s25;
	s0 =	simm.s32 @p0 $0x0  }
0x5b: {  	s1 =	simm.s32 @p1 $0x0;
	[dreg:$0xd] =	wrdreg s2;
	s2 =	sadd.s32 s2, s4  }
0x5c: {  	s26 =	smul.u32 s0, s1;
	s27 =	sadd.s32 $0xFFFFFFA0, s2  }
0x5d: {  	s0 =	ssub.s32 $0xE0, s2;
	s1 =	sadd.s32 $0x1, s17;
	p0 =	sgt.s32 s27, $0x7F  }
0x5e: {  	s2 =	sadd.s32 $0x1, s11;
	s0 =	simm.s32 @p0 $0x0;
	p0 =	slt.s32 s1, $0x2  }
0x5f: {  	s1 =	simm.s32 @!p0 $0x2;
	p0 =	slt.s32 s2, $0xE0  }
0x60: {  	s23 =	ssub.s32 s1, s17;
	s2 =	simm.s32 @!p0 $0xE0;
	s1 =	sadd.s32 $0x80, s10  }
0x61: {  	s24 =	ssub.s32 s2, s11;
	p1 =	slt.s32 s1, $0xE0;
	p0 =	slt.s32 s23, $0x1  }
0x62: {  	[dreg:$0xb] =	wrdreg s20;
	s1 =	simm.s32 @!p1 $0xE0;
	p1 =	slt.s32 @!p0 s24, $0x1  }
0x63: {  	[dreg:$0xa] =	wrdreg s19;
	s25 =	ssub.s32 s1, s10;
	p1 =	por p0, p1  }
0x64: {  	[dreg:$0x9] =	wrdreg s18;
	s0 =	smul.u32 s0, s26;
	p2 =	slt.s32 @!p1 s25, $0x1  }
0x65: {  	[dreg:$0x8] =	wrdreg s17;
	p1 =	por p1, p2  }
.Ltmp3:
0x66: {  	s29 =	simm.s32 $0x1;
	s0 =	sshll.u32 s0, $0x7;
	(pc) =	sbr.rel @p1 .LBB1_13-.Ltmp3, $4  }
0x67: {  	[dreg:$0xc] =	wrdreg s26;
	s28 =	sand.u32 $0x3FFFFF80, s0;
	s0 =	sand.u32 $0x1, s16  }
0x68: {  	_ =	swait.ge [sflag:s29], s28;
	s31 =	smul.u32 $0x4080, s0  }
0x69: {  	s30 =	ssub.s32 $0x0, s28;
	[sflag:s29] =	ssyncset.done $0x0  }
0x6a: {  	[sflag:s29] =	ssyncadd.s32 s30;
	[dreg:$0xe] =	wrdreg s31  }
.Ltmp4:
0x6b: {  	(pc) =	sbr.rel .LBB1_4-.Ltmp4, $3  }
0x6c: {  	_ =	sdelay $0x1  }
0x6d: {  	s26 =	sshll.u32 @!p0 s0, $0xE;
	s0 =	rddreg [dreg:$0xe]  }
0x6e: {  	s28 =	simm.s32 $0x0;
	s27 =	sor.u32 @!p0 $0x8000, s0  }
.LBB1_12:
0x6f: {  	s28 =	sadd.s32 $0x1, s28  }
0x70: {  	p0 =	sne.s32 s28, s23  }
.Ltmp5:
0x71: {  	_ = 	snop;
	(pc) =	sbr.rel @!p0 .LBB1_13-.Ltmp5, $1  }
0x72: {  	_ =	sdelay $0x3  }
.LBB1_4:
0x73: {  	s0 =	smul.u32 $0x10200, s28;
	_ =	sdelay $0x1  }
0x74: {  	s0 =	sshra.s32 s0, $0x2  }
0x75: {  	s29 =	sadd.s32 s0, s27  }
0x76: {  	s9 =	simm.s32 $0x0;
	s30 =	sadd.s32 $0x810, s29;
	s31 =	sadd.s32 $0x1020, s29  }
0x77: {  	s0 =	sadd.s32 $0x1830, s29;
	s1 =	sadd.s32 $0x2040, s29;
	s2 =	sadd.s32 $0x2850, s29  }
.LBB1_5:
0x78: {  	s3 =	sadd.s32 s28, s9  }
0x79: {  	s3 =	sshll.u32 s3, $0x10  }
0x7a: {  	s3 =	sshra.s32 s3, $0x2  }
0x7b: {  	s3 =	sadd.s32 s3, s26  }
0x7c: {  	v0 =	vmov s3;
	_ =	sdelay $0x2  }
0x7d: {  	s17 =	simm.s32 $0x0  }
0x7e: {  	p1 =	sne.s32 s25, $0x1;
	s21 =	sand.u32 $0x3F80, s17  }
.Ltmp6:
0x7f: {  	s22 =	sand.u32 $0x7, s9;
	v8 =	vld.idx.msk [tilespmem:v0+s21+$0x0 ss:$0x1], $0xffff;
	(pc) =	sbr.rel @!p1 .LBB1_6-.Ltmp6, $4  }
0x80: {  	s13 =	simm.s32 $0x1;
	s5 =	smul.u32 $0x81, s22;
	v9 =	vld.idx.msk [tilespmem:v0+s21+$0x10 ss:$0x1], $0xffff  }
0x81: {  	s18 =	simm.s32 $0x80;
	p0 =	por $0x0, $0x0;
	s17 =	sand.u32 $0x7F, s17;
	v10 =	vld.idx.msk [tilespmem:v0+s21+$0x20 ss:$0x1], $0xffff  }
0x82: {  	s6 =	sadd.s32 s5, s29;
	s7 =	sadd.s32 s5, s31;
	s8 =	sadd.s32 s5, s0;
	v11 =	vld.idx.msk [tilespmem:v0+s21+$0x30 ss:$0x1], $0xffff  }
0x83: {  	s4 =	sadd.s32 s5, s1;
	s3 =	sadd.s32 s5, s30;
	s5 =	sadd.s32 s5, s2;
	v7 =	vld.idx.msk [tilespmem:v0+s21+$0x40 ss:$0x1], $0xffff  }
0x84: {  	_ =	sdelay $0x3  }
0x85: {  	s20 =	sand.u32 $0x3F80, s18;
	s19 =	sadd.s32 s17, s6;
	v1 =	vld.idx.msk [tilespmem:v0+s21+$0x50 ss:$0x1], $0xffff;
	p1 =	sne.s32 s25, $0x2  }
.Ltmp7:
0x86: {  	s22 =	sadd.s32 s17, s3;
	v2 =	vld.idx.msk [tilespmem:v0+s20+$0x0 ss:$0x1], $0xffff;
	[tilespmem:s19+$0x0 ss:$0x81] =	vst.msk $0xffff, v8;
	(pc) =	sbr.rel @!p1 .LBB1_8-.Ltmp7, $4  }
0x87: {  	v3 =	vld.idx.msk [tilespmem:v0+s20+$0x10 ss:$0x1], $0xffff;
	[tilespmem:s22+$0x0 ss:$0x81] =	vst.msk $0xffff, v9;
	s19 =	sadd.s32 s17, s7  }
0x88: {  	v4 =	vld.idx.msk [tilespmem:v0+s20+$0x20 ss:$0x1], $0xffff;
	s22 =	sadd.s32 s17, s8;
	[tilespmem:s19+$0x0 ss:$0x81] =	vst.msk $0xffff, v10  }
0x89: {  	s21 =	simm.s32 $0x2;
	s18 =	sadd.s32 s17, s5;
	v5 =	vld.idx.msk [tilespmem:v0+s20+$0x30 ss:$0x1], $0xffff;
	s19 =	sadd.s32 s17, s4;
	[tilespmem:s22+$0x0 ss:$0x81] =	vst.msk $0xffff, v11  }
0x8a: {  	p0 =	por $0x1, $0x1;
	v6 =	vld.idx.msk [tilespmem:v0+s20+$0x40 ss:$0x1], $0xffff;
	s22 =	sand.u32 $0x7F, s13;
	s13 =	simm.s32 $0x100;
	[tilespmem:s19+$0x0 ss:$0x81] =	vst.msk $0xffff, v7  }
.LBB1_9:
0x8b: {  	s19 =	smov.u32 s21;
	s21 =	sadd.s32 $0x1, s21  }
0x8c: {  	s17 =	sadd.s32 s22, s6;
	[tilespmem:s18+$0x0 ss:$0x81] =	vst.msk $0xffff, v1;
	v1 =	vld.idx.msk [tilespmem:v0+s20+$0x50 ss:$0x1], $0xffff;
	s20 =	sand.u32 $0x3F80, s13;
	p1 =	sne.s32 s25, s21  }
.Ltmp8:
0x8d: {  	[tilespmem:s17+$0x0 ss:$0x81] =	vst.msk $0xffff, v2;
	v2 =	vld.idx.msk [tilespmem:v0+s20+$0x0 ss:$0x1], $0xffff;
	s17 =	sadd.s32 s22, s3;
	(pc) =	sbr.rel @p1 .LBB1_9-.Ltmp8, $4  }
0x8e: {  	[tilespmem:s17+$0x0 ss:$0x81] =	vst.msk $0xffff, v3;
	v3 =	vld.idx.msk [tilespmem:v0+s20+$0x10 ss:$0x1], $0xffff;
	s17 =	sadd.s32 s22, s7  }
0x8f: {  	[tilespmem:s17+$0x0 ss:$0x81] =	vst.msk $0xffff, v4;
	v4 =	vld.idx.msk [tilespmem:v0+s20+$0x20 ss:$0x1], $0xffff;
	s17 =	sadd.s32 s22, s8  }
0x90: {  	[tilespmem:s17+$0x0 ss:$0x81] =	vst.msk $0xffff, v5;
	v5 =	vld.idx.msk [tilespmem:v0+s20+$0x30 ss:$0x1], $0xffff;
	s17 =	sadd.s32 s22, s4  }
0x91: {  	s13 =	sadd.s32 $0x80, s13;
	s18 =	sadd.s32 s22, s5;
	s22 =	sand.u32 $0x7F, s19;
	[tilespmem:s17+$0x0 ss:$0x81] =	vst.msk $0xffff, v6;
	v6 =	vld.idx.msk [tilespmem:v0+s20+$0x40 ss:$0x1], $0xffff  }
0x92: {  	_ =	sdelay $0x3  }
0x93: {  	s17 =	smov.u32 s22;
	s21 =	smov.u32 s20;
	v8 =	vmovc v2;
	v9 =	vmovc v3;
	v10 =	vmov v4;
	v11 =	vmov v5;
	v7 =	vmov v6  }
.LBB1_11:
0x94: {  	_ =	sdelay $0x2  }
0x95: {  	s6 =	sadd.s32 s17, s6;
	[tilespmem:s18+$0x0 ss:$0x81] =	vst.msk @p0 $0xffff, v1;
	s9 =	sadd.s32 $0x1, s9  }
0x96: {  	v0 =	vld.idx.msk [tilespmem:v0+s21+$0x50 ss:$0x1], $0xffff;
	s3 =	sadd.s32 s17, s3;
	[tilespmem:s6+$0x0 ss:$0x81] =	vst.msk $0xffff, v8;
	p0 =	sne.s32 s9, s24  }
.Ltmp9:
0x97: {  	s19 =	sadd.s32 s17, s7;
	[tilespmem:s3+$0x0 ss:$0x81] =	vst.msk $0xffff, v9;
	(pc) =	sbr.rel @p0 .LBB1_5-.Ltmp9, $4  }
.Ltmp10:
0x98: {  	s20 =	sadd.s32 s17, s8;
	[tilespmem:s19+$0x0 ss:$0x81] =	vst.msk $0xffff, v10;
	(pc) =	sbr.rel @!p0 .LBB1_12-.Ltmp10, $4  }
0x99: {  	s21 =	sadd.s32 s17, s4;
	[tilespmem:s20+$0x0 ss:$0x81] =	vst.msk $0xffff, v11  }
0x9a: {  	s22 =	sadd.s32 s17, s5;
	[tilespmem:s21+$0x0 ss:$0x81] =	vst.msk $0xffff, v7  }
0x9b: {  	[tilespmem:s22+$0x0 ss:$0x81] =	vst.msk $0xffff, v0  }
0x9c: {  	_ = 	snop  }
.LBB1_6:
.Ltmp11:
0x9d: {  	(pc) =	sbr.rel .LBB1_11-.Ltmp11, $2  }
0x9e: {  	_ =	sdelay $0x2  }
0x9f: {  	_ = 	snop  }
.LBB1_8:
.Ltmp12:
0xa0: {  	_ = 	snop;
	(pc) =	sbr.rel .LBB1_11-.Ltmp12, $2  }
0xa1: {  	_ =	sdelay $0x2  }
0xa2: {  	s17 =	smov.u32 s22;
	s21 =	smov.u32 s20;
	v8 =	vmovc v2;
	v9 =	vmovc v3;
	v10 =	vmov v4;
	v11 =	vmov v5;
	v7 =	vmov v6  }
.LBB1_15:
0xa3: {  	_ =	sfence.sel $0x180000  }
0xa4: {  	s0 =	simm.s32 $0x1;
	[bflag:$0x0] =	sbarrier.arrive $0xFFFF  }
0xa5: {  	s30 =	simm.s32 $0x2;
	[sflag:s0] =	ssyncpa.u1 $0x1  }
0xa6: {  	[sflag:s30] =	ssyncpa.u1 $0x1  }
0xa7: {  	_ =	strace $0x9000004D  }
0xa8: {  	s31 =	stileid.u32;
	[bflag:$0x2] =	sbarrier.arrive $0xFFFF  }
0xa9: {  	p0 =	sne.s32 s31, $0x0;
	s0 =	rddreg [dreg:$0x2]  }
0xaa: {  	s0 =	sadd.s32 @!p0 $0x100000, s0  }
0xab: {  	[sflag:s0] =	ssyncadd.tile.s32 @!p0 $0x1;
	_ =	shalt  }
.Lfunc_end1:
_tile_overlayer_lowered:
.L_overlay_start_2:
0xac: {  	(tag) =	ssettag $0x2  }
0xad: {  	s0 =	rddreg [dreg:$0x0];
	s2 =	stileid.u32  }
0xae: {  	s1 =	rddreg [dreg:$0x1];
	p0 =	sne.s32 s2, $0x0  }
0xaf: {  	s3 =	rddreg [dreg:$0x2];
	[bflag:$0x3] =	sbarrier.arrive $0xFFFF;
	s2 =	simm.s32 @!p0 $0x1C01  }
0xb0: {  	[timem:s3], [sflag:s2] =	dma.local @!p0 [hbm:s0], s1  }
0xb1: {  	s0 =	simm.s32 @!p0 $0x1  }
0xb2: {  	_ =	swait.ge @!p0 [sflag:s0], s1  }
0xb3: {  	s1 =	ssub.s32 @!p0 $0x0, s1;
	[sflag:s0] =	ssyncset.done @!p0 $0x0  }
0xb4: {  	[sflag:s0] =	ssyncadd.s32 @!p0 s1  }
0xb5: {  	[bflag:$0x3] =	sbarrier.arrive $0xFFFF  }
0xb6: {  	_ =	shalt  }

</sc_bundles>
